<compile_context>
chip_gen: v7x
topology: tpu7x:2x2x1
jax: 0.10.2.dev20260603
libtpu: 0.0.44.dev20260713+nightly
codegen_flags: <defaults>
</compile_context>

<pallas_src>
import functools

import jax
import jax.numpy as jnp
from jax import lax
from jax.experimental import pallas as pl
from jax.experimental.pallas import tpu as pltpu
from jax.experimental.pallas import tpu_sc as plsc

VOCAB = 1000000
D = 32
C = 100
B = 16384
H = 50

RBLK = 16384
NRB = pl.cdiv(VOCAB, RBLK)
VP = NRB * RBLK

NW = 32
BPW = B // NW
CB = 32
NCHUNK = BPW // CB
IPC = CB * H
GB = 80
NG = IPC // GB


def _tc_repack(vT):
    def body(x_ref, o_ref):
        x = x_ref[...]
        for s in range(4):
            o_ref[:, 32 * s:32 * s + 32] = jnp.transpose(
                lax.slice(x, (0, s * (RBLK // 4)), (D, (s + 1) * (RBLK // 4)))
            )

    return pl.pallas_call(
        body,
        grid=(NRB,),
        in_specs=[pl.BlockSpec((D, RBLK), lambda i: (0, i))],
        out_specs=pl.BlockSpec((RBLK // 4, 128), lambda i: (i, 0)),
        out_shape=jax.ShapeDtypeStruct((VP // 4, 128), jnp.float32),
        compiler_params=pltpu.CompilerParams(
            dimension_semantics=("parallel",),
        ),
    )(vT)


def _sc_gather_mean(words_flat, table):
    info = plsc.get_sparse_core_info()
    nc = info.num_cores
    mesh = plsc.VectorSubcoreMesh(core_axis_name="c", subcore_axis_name="s")

    @functools.partial(
        pl.kernel,
        mesh=mesh,
        out_type=jax.ShapeDtypeStruct((B, 128), jnp.float32),
        compiler_params=pltpu.CompilerParams(use_tc_tiling_on_sc=False),
        scratch_types=[
            pltpu.VMEM((IPC,), jnp.int32),
            pltpu.VMEM((IPC, D), jnp.float32),
            pltpu.VMEM((CB, 128), jnp.float32),
            pltpu.SemaphoreType.DMA,
        ],
    )
    def k(words_hbm, table_hbm, feat_hbm, idx_v, rows_v, feat_v, sem):
        wid = lax.axis_index("s") * nc + lax.axis_index("c")
        base_elem = wid * BPW

        def zero_body(e, c0):
            for g in range(2, 8):
                feat_v[e, pl.ds(16 * g, 16)] = jnp.zeros((16,), jnp.float32)
            return c0

        lax.fori_loop(0, CB, zero_body, 0)

        def chunk_body(ch, carry):
            elem0 = base_elem + ch * CB
            idx_base = pl.multiple_of(elem0 * H, 8)
            pltpu.sync_copy(words_hbm.at[pl.ds(idx_base, IPC)], idx_v)
            copies = [
                pltpu.async_copy(
                    table_hbm.at[idx_v.at[pl.ds(j * GB, GB)]],
                    rows_v.at[pl.ds(j * GB, GB)],
                    sem,
                )
                for j in range(NG)
            ]
            for cp in copies:
                cp.wait()

            def elem_body(e, c2):
                row0 = e * H
                a0 = jnp.zeros((16,), jnp.float32)
                a1 = jnp.zeros((16,), jnp.float32)
                for j in range(H):
                    a0 = a0 + rows_v[row0 + j, pl.ds(0, 16)]
                    a1 = a1 + rows_v[row0 + j, pl.ds(16, 16)]
                feat_v[e, pl.ds(0, 16)] = a0 * (1.0 / H)
                feat_v[e, pl.ds(16, 16)] = a1 * (1.0 / H)
                return c2

            lax.fori_loop(0, CB, elem_body, 0)
            pltpu.sync_copy(feat_v, feat_hbm.at[pl.ds(elem0, CB)])
            return carry

        lax.fori_loop(0, NCHUNK, chunk_body, 0)

    return k(words_flat, table)


def _tc_linear(feat, W2, b2):
    BB = 2048

    def body(w_ref, f_ref, b_ref, o_ref):
        o_ref[...] = (
            lax.dot_general(
                w_ref[...],
                f_ref[...],
                (((1,), (1,)), ((), ())),
                preferred_element_type=jnp.float32,
            )
            + b_ref[...]
        )

    return pl.pallas_call(
        body,
        grid=(B // BB,),
        in_specs=[
            pl.BlockSpec((C, 128), lambda i: (0, 0)),
            pl.BlockSpec((BB, 128), lambda i: (i, 0)),
            pl.BlockSpec((C, 1), lambda i: (0, 0)),
        ],
        out_specs=pl.BlockSpec((C, BB), lambda i: (0, i)),
        out_shape=jax.ShapeDtypeStruct((C, B), jnp.float32),
        compiler_params=pltpu.CompilerParams(
            dimension_semantics=("parallel",),
        ),
    )(W2, feat, b2)


def kernel(words, vectors, W, b):
    w = words
    q = RBLK // 4
    qbits = q.bit_length() - 1
    wp = (
        jnp.bitwise_and(w, ~(RBLK - 1))
        | jnp.left_shift(jnp.bitwise_and(w, q - 1), 2)
        | jnp.bitwise_and(jnp.right_shift(w, qbits), 3)
    )
    words_flat = wp.reshape(-1)
    table = _tc_repack(vectors.T).reshape(VP, D)
    feat = _sc_gather_mean(words_flat, table)
    W2 = jnp.pad(W, ((0, 0), (0, 128 - D)))
    out_t = _tc_linear(feat, W2, b.reshape(C, 1))
    return out_t.T

# --- scband reference (transcript-rebuilt; emitter-appended) ---
"""Pipeline reference for scband-nbo-w-70351564309067 (READ-ONLY COPY).

The authoritative reference and input builder live on the scoring server;
editing this copy changes nothing except your own understanding.
"""

import jax, jax.numpy as jnp
import numpy as np

VOCAB = 1000000
EMBED_DIM = 32
CLASS_SIZE = 100
BATCH = 16384
HIST = 50

def setup_inputs(seed: int = 0) -> dict:
    key = jax.random.key(seed)
    k1, k2, k3, k4 = jax.random.split(key, 4)
    words = jax.random.randint(k1, (BATCH, HIST), 0, VOCAB, dtype=jnp.int64 if jax.config.jax_enable_x64 else jnp.int32).astype(jnp.int32)
    vectors = jax.random.normal(k2, (VOCAB, EMBED_DIM), dtype=jnp.float32) * 0.02
    # Linear layer params (torch default init: uniform(-1/sqrt(fan_in), 1/sqrt(fan_in)))
    bound = 1.0 / np.sqrt(EMBED_DIM)
    W = jax.random.uniform(k3, (CLASS_SIZE, EMBED_DIM), dtype=jnp.float32, minval=-bound, maxval=bound)
    b = jax.random.uniform(k4, (CLASS_SIZE,), dtype=jnp.float32, minval=-bound, maxval=bound)
    return {"words": words, "vectors": vectors, "W": W, "b": b}

def reference(words, vectors, W, b):
    # EmbeddingBag with default mode='mean' on 2D input [B, L]:
    # gather embeddings then mean over the bag (dim 1)
    gathered = jnp.take(vectors, words, axis=0)          # [B, L, D]
    feature_vector = jnp.mean(gathered, axis=1)          # [B, D]
    # Linear output layer
    out = feature_vector @ W.T + b                        # [B, C]
    return out

if __name__ == "__main__":
    import jax
    _d = setup_inputs()
    print(jax.jit(kernel)(*tuple(_d.values())))

</pallas_src>

<mosaic_0001>
#map = affine_map<(d0, d1) -> (0)>
#map1 = affine_map<(d0, d1) -> (0, 0)>
module attributes {stable_mosaic.version = 14 : i64} {
  func.func @k(%arg0: i32, %arg1: i32, %arg2: memref<819200xi32, #tpu.memory_space<hbm>>, %arg3: memref<1015808x32xf32, #tpu.memory_space<hbm>>, %arg4: memref<16384x128xf32, #tpu.memory_space<hbm>>, %arg5: memref<1600xi32, #tpu.memory_space<vmem>>, %arg6: memref<1600x32xf32, #tpu.memory_space<vmem>>, %arg7: memref<32x128xf32, #tpu.memory_space<vmem>>, %arg8: memref<!tpu.dma_semaphore, #tpu.memory_space<semaphore_mem>>) attributes {dimension_semantics = [#tpu.dimension_semantics<core_parallel>, #tpu.dimension_semantics<subcore_parallel>], iteration_bounds = array<i64: 2, 16>, scalar_prefetch = 0 : i64, scratch_operands = 4 : i64, tpu.core_type = #tpu.core_type<sc_vector_subcore>, window_params = [{transform_indices = #map}, {transform_indices = #map1}, {transform_indices = #map1}]} {
    %mul3A = arith.constant 2 : i32
    %mul3A_0 = arith.muli %arg1, %mul3A : i32
    %add3A = arith.addi %mul3A_0, %arg0 : i32
    %mul3A_1 = arith.constant 512 : i32
    %mul3A_2 = arith.muli %add3A, %mul3A_1 : i32
    %scan3A = arith.constant 0 : i32
    %scan3A_3 = arith.constant 0 : i32
    %scan3A_4 = arith.constant 32 : i32
    %scan3A_5 = arith.addi %scan3A_3, %scan3A_4 : i32
    %scan3A_6 = arith.constant 1 : i32
    scf.for %scan3A_14 = %scan3A_3 to %scan3A_5 step %scan3A_6  : i32 {
      %broadcast_in_dim3A = arith.constant 0.000000e+00 : f32
      %broadcast_in_dim3A_15 = vector.broadcast %broadcast_in_dim3A : f32 to vector<16xf32>
      %swap3A = arith.index_cast %scan3A_14 : i32 to index
      %swap3A_16 = arith.constant 32 : index
      %swap3A_17 = tpu.vector_load %arg7[%swap3A, %swap3A_16] {strides = array<i32>} : memref<32x128xf32, #tpu.memory_space<vmem>>, vector<1x16xf32>,
      %swap3A_18 = vector.shape_cast %swap3A_17 : vector<1x16xf32> to vector<16xf32>
      %swap3A_19 = vector.shape_cast %broadcast_in_dim3A_15 : vector<16xf32> to vector<1x16xf32>
      tpu.vector_store %arg7[%swap3A, %swap3A_16], %swap3A_19 {strides = array<i32>} : memref<32x128xf32, #tpu.memory_space<vmem>>, vector<1x16xf32>,
      %broadcast_in_dim3A_20 = arith.constant 0.000000e+00 : f32
      %broadcast_in_dim3A_21 = vector.broadcast %broadcast_in_dim3A_20 : f32 to vector<16xf32>
      %swap3A_22 = arith.index_cast %scan3A_14 : i32 to index
      %swap3A_23 = arith.constant 48 : index
      %swap3A_24 = tpu.vector_load %arg7[%swap3A_22, %swap3A_23] {strides = array<i32>} : memref<32x128xf32, #tpu.memory_space<vmem>>, vector<1x16xf32>,
      %swap3A_25 = vector.shape_cast %swap3A_24 : vector<1x16xf32> to vector<16xf32>
      %swap3A_26 = vector.shape_cast %broadcast_in_dim3A_21 : vector<16xf32> to vector<1x16xf32>
      tpu.vector_store %arg7[%swap3A_22, %swap3A_23], %swap3A_26 {strides = array<i32>} : memref<32x128xf32, #tpu.memory_space<vmem>>, vector<1x16xf32>,
      %broadcast_in_dim3A_27 = arith.constant 0.000000e+00 : f32
      %broadcast_in_dim3A_28 = vector.broadcast %broadcast_in_dim3A_27 : f32 to vector<16xf32>
      %swap3A_29 = arith.index_cast %scan3A_14 : i32 to index
      %swap3A_30 = arith.constant 64 : index
      %swap3A_31 = tpu.vector_load %arg7[%swap3A_29, %swap3A_30] {strides = array<i32>} : memref<32x128xf32, #tpu.memory_space<vmem>>, vector<1x16xf32>,
      %swap3A_32 = vector.shape_cast %swap3A_31 : vector<1x16xf32> to vector<16xf32>
      %swap3A_33 = vector.shape_cast %broadcast_in_dim3A_28 : vector<16xf32> to vector<1x16xf32>
      tpu.vector_store %arg7[%swap3A_29, %swap3A_30], %swap3A_33 {strides = array<i32>} : memref<32x128xf32, #tpu.memory_space<vmem>>, vector<1x16xf32>,
      %broadcast_in_dim3A_34 = arith.constant 0.000000e+00 : f32
      %broadcast_in_dim3A_35 = vector.broadcast %broadcast_in_dim3A_34 : f32 to vector<16xf32>
      %swap3A_36 = arith.index_cast %scan3A_14 : i32 to index
      %swap3A_37 = arith.constant 80 : index
      %swap3A_38 = tpu.vector_load %arg7[%swap3A_36, %swap3A_37] {strides = array<i32>} : memref<32x128xf32, #tpu.memory_space<vmem>>, vector<1x16xf32>,
      %swap3A_39 = vector.shape_cast %swap3A_38 : vector<1x16xf32> to vector<16xf32>
      %swap3A_40 = vector.shape_cast %broadcast_in_dim3A_35 : vector<16xf32> to vector<1x16xf32>
      tpu.vector_store %arg7[%swap3A_36, %swap3A_37], %swap3A_40 {strides = array<i32>} : memref<32x128xf32, #tpu.memory_space<vmem>>, vector<1x16xf32>,
      %broadcast_in_dim3A_41 = arith.constant 0.000000e+00 : f32
      %broadcast_in_dim3A_42 = vector.broadcast %broadcast_in_dim3A_41 : f32 to vector<16xf32>
      %swap3A_43 = arith.index_cast %scan3A_14 : i32 to index
      %swap3A_44 = arith.constant 96 : index
      %swap3A_45 = tpu.vector_load %arg7[%swap3A_43, %swap3A_44] {strides = array<i32>} : memref<32x128xf32, #tpu.memory_space<vmem>>, vector<1x16xf32>,
      %swap3A_46 = vector.shape_cast %swap3A_45 : vector<1x16xf32> to vector<16xf32>
      %swap3A_47 = vector.shape_cast %broadcast_in_dim3A_42 : vector<16xf32> to vector<1x16xf32>
      tpu.vector_store %arg7[%swap3A_43, %swap3A_44], %swap3A_47 {strides = array<i32>} : memref<32x128xf32, #tpu.memory_space<vmem>>, vector<1x16xf32>,
      %broadcast_in_dim3A_48 = arith.constant 0.000000e+00 : f32
      %broadcast_in_dim3A_49 = vector.broadcast %broadcast_in_dim3A_48 : f32 to vector<16xf32>
      %swap3A_50 = arith.index_cast %scan3A_14 : i32 to index
      %swap3A_51 = arith.constant 112 : index
      %swap3A_52 = tpu.vector_load %arg7[%swap3A_50, %swap3A_51] {strides = array<i32>} : memref<32x128xf32, #tpu.memory_space<vmem>>, vector<1x16xf32>,
      %swap3A_53 = vector.shape_cast %swap3A_52 : vector<1x16xf32> to vector<16xf32>
      %swap3A_54 = vector.shape_cast %broadcast_in_dim3A_49 : vector<16xf32> to vector<1x16xf32>
      tpu.vector_store %arg7[%swap3A_50, %swap3A_51], %swap3A_54 {strides = array<i32>} : memref<32x128xf32, #tpu.memory_space<vmem>>, vector<1x16xf32>,
    }
    %scan3A_7 = arith.constant 32 : i32
    %scan3A_8 = arith.constant 0 : i32
    %scan3A_9 = arith.constant 0 : i32
    %scan3A_10 = arith.constant 16 : i32
    %scan3A_11 = arith.addi %scan3A_9, %scan3A_10 : i32
    %scan3A_12 = arith.constant 1 : i32
    scf.for %scan3A_14 = %scan3A_9 to %scan3A_11 step %scan3A_12  : i32 {
      %mul3A_15 = arith.constant 32 : i32
      %mul3A_16 = arith.muli %scan3A_14, %mul3A_15 : i32
      %add3A_17 = arith.addi %mul3A_2, %mul3A_16 : i32
      %mul3A_18 = arith.constant 50 : i32
      %mul3A_19 = arith.muli %add3A_17, %mul3A_18 : i32
      %multiple_of3A = tpu.assume_multiple %mul3A_19, 8 : i32
      "tpu.region"() ({
        %run_scoped3A = tpu.sem_alloc : memref<!tpu.dma_semaphore, #tpu.memory_space<semaphore_mem>>
        %dma_start3A_344 = tpu.memref_slice %arg2[%multiple_of3A] : memref<819200xi32, #tpu.memory_space<hbm>> -> memref<1600xi32, #tpu.memory_space<hbm>>
        %dma_start3A_345 = tpu.memref_slice %arg2[%multiple_of3A] : memref<819200xi32, #tpu.memory_space<hbm>> -> memref<1600xi32, #tpu.memory_space<hbm>>
        tpu.enqueue_dma source(%dma_start3A_345 : memref<1600xi32, #tpu.memory_space<hbm>>) target(%arg5 : memref<1600xi32, #tpu.memory_space<vmem>>) target_semaphore(%run_scoped3A : memref<!tpu.dma_semaphore, #tpu.memory_space<semaphore_mem>>)
        %dma_wait3A_346 = tpu.memref_slice %arg2[%multiple_of3A] : memref<819200xi32, #tpu.memory_space<hbm>> -> memref<1600xi32, #tpu.memory_space<hbm>>
        %dma_wait3A_347 = tpu.memref_slice %arg2[%multiple_of3A] : memref<819200xi32, #tpu.memory_space<hbm>> -> memref<1600xi32, #tpu.memory_space<hbm>>
        tpu.wait_dma2 semaphore(%run_scoped3A : memref<!tpu.dma_semaphore, #tpu.memory_space<semaphore_mem>>) src(%dma_wait3A_347 : memref<1600xi32, #tpu.memory_space<hbm>>) dst(%arg5 : memref<1600xi32, #tpu.memory_space<vmem>>)
        tpu.yield
      }) : () -> ()
      %dma_start3A = arith.constant 0 : i32
      %dma_start3A_20 = arith.constant 0 : i32
      %dma_start3A_21 = tpu.memref_slice %arg6[%dma_start3A, %dma_start3A_20] : memref<1600x32xf32, #tpu.memory_space<vmem>> -> memref<80x32xf32, #tpu.memory_space<vmem>>
      %dma_start3A_22 = arith.constant 0 : i32
      %dma_start3A_23 = tpu.memref_slice %arg5[%dma_start3A_22] : memref<1600xi32, #tpu.memory_space<vmem>> -> memref<80xi32, #tpu.memory_space<vmem>>
      %dma_start3A_24 = arith.constant 0 : i32
      %dma_start3A_25 = arith.constant 0 : i32
      %dma_start3A_26 = tpu.memref_slice %arg3[%dma_start3A_24, %dma_start3A_25] : memref<1015808x32xf32, #tpu.memory_space<hbm>> -> memref<1015808x32xf32, #tpu.memory_space<hbm>>
      tpu.enqueue_indirect_dma source(%dma_start3A_26 : memref<1015808x32xf32, #tpu.memory_space<hbm>>) target(%dma_start3A_21 : memref<80x32xf32, #tpu.memory_space<vmem>>) offsets(%dma_start3A_23 : memref<80xi32, #tpu.memory_space<vmem>>) semaphore(%arg8 : memref<!tpu.dma_semaphore, #tpu.memory_space<semaphore_mem>>)
      %dma_start3A_27 = arith.constant 80 : i32
      %dma_start3A_28 = arith.constant 0 : i32
      %dma_start3A_29 = tpu.memref_slice %arg6[%dma_start3A_27, %dma_start3A_28] : memref<1600x32xf32, #tpu.memory_space<vmem>> -> memref<80x32xf32, #tpu.memory_space<vmem>>
      %dma_start3A_30 = arith.constant 80 : i32
      %dma_start3A_31 = tpu.memref_slice %arg5[%dma_start3A_30] : memref<1600xi32, #tpu.memory_space<vmem>> -> memref<80xi32, #tpu.memory_space<vmem>>
      %dma_start3A_32 = arith.constant 0 : i32
      %dma_start3A_33 = arith.constant 0 : i32
      %dma_start3A_34 = tpu.memref_slice %arg3[%dma_start3A_32, %dma_start3A_33] : memref<1015808x32xf32, #tpu.memory_space<hbm>> -> memref<1015808x32xf32, #tpu.memory_space<hbm>>
      tpu.enqueue_indirect_dma source(%dma_start3A_34 : memref<1015808x32xf32, #tpu.memory_space<hbm>>) target(%dma_start3A_29 : memref<80x32xf32, #tpu.memory_space<vmem>>) offsets(%dma_start3A_31 : memref<80xi32, #tpu.memory_space<vmem>>) semaphore(%arg8 : memref<!tpu.dma_semaphore, #tpu.memory_space<semaphore_mem>>)
      %dma_start3A_35 = arith.constant 160 : i32
      %dma_start3A_36 = arith.constant 0 : i32
      %dma_start3A_37 = tpu.memref_slice %arg6[%dma_start3A_35, %dma_start3A_36] : memref<1600x32xf32, #tpu.memory_space<vmem>> -> memref<80x32xf32, #tpu.memory_space<vmem>>
      %dma_start3A_38 = arith.constant 160 : i32
      %dma_start3A_39 = tpu.memref_slice %arg5[%dma_start3A_38] : memref<1600xi32, #tpu.memory_space<vmem>> -> memref<80xi32, #tpu.memory_space<vmem>>
      %dma_start3A_40 = arith.constant 0 : i32
      %dma_start3A_41 = arith.constant 0 : i32
      %dma_start3A_42 = tpu.memref_slice %arg3[%dma_start3A_40, %dma_start3A_41] : memref<1015808x32xf32, #tpu.memory_space<hbm>> -> memref<1015808x32xf32, #tpu.memory_space<hbm>>
      tpu.enqueue_indirect_dma source(%dma_start3A_42 : memref<1015808x32xf32, #tpu.memory_space<hbm>>) target(%dma_start3A_37 : memref<80x32xf32, #tpu.memory_space<vmem>>) offsets(%dma_start3A_39 : memref<80xi32, #tpu.memory_space<vmem>>) semaphore(%arg8 : memref<!tpu.dma_semaphore, #tpu.memory_space<semaphore_mem>>)
      %dma_start3A_43 = arith.constant 240 : i32
      %dma_start3A_44 = arith.constant 0 : i32
      %dma_start3A_45 = tpu.memref_slice %arg6[%dma_start3A_43, %dma_start3A_44] : memref<1600x32xf32, #tpu.memory_space<vmem>> -> memref<80x32xf32, #tpu.memory_space<vmem>>
      %dma_start3A_46 = arith.constant 240 : i32
      %dma_start3A_47 = tpu.memref_slice %arg5[%dma_start3A_46] : memref<1600xi32, #tpu.memory_space<vmem>> -> memref<80xi32, #tpu.memory_space<vmem>>
      %dma_start3A_48 = arith.constant 0 : i32
      %dma_start3A_49 = arith.constant 0 : i32
      %dma_start3A_50 = tpu.memref_slice %arg3[%dma_start3A_48, %dma_start3A_49] : memref<1015808x32xf32, #tpu.memory_space<hbm>> -> memref<1015808x32xf32, #tpu.memory_space<hbm>>
      tpu.enqueue_indirect_dma source(%dma_start3A_50 : memref<1015808x32xf32, #tpu.memory_space<hbm>>) target(%dma_start3A_45 : memref<80x32xf32, #tpu.memory_space<vmem>>) offsets(%dma_start3A_47 : memref<80xi32, #tpu.memory_space<vmem>>) semaphore(%arg8 : memref<!tpu.dma_semaphore, #tpu.memory_space<semaphore_mem>>)
      %dma_start3A_51 = arith.constant 320 : i32
      %dma_start3A_52 = arith.constant 0 : i32
      %dma_start3A_53 = tpu.memref_slice %arg6[%dma_start3A_51, %dma_start3A_52] : memref<1600x32xf32, #tpu.memory_space<vmem>> -> memref<80x32xf32, #tpu.memory_space<vmem>>
      %dma_start3A_54 = arith.constant 320 : i32
      %dma_start3A_55 = tpu.memref_slice %arg5[%dma_start3A_54] : memref<1600xi32, #tpu.memory_space<vmem>> -> memref<80xi32, #tpu.memory_space<vmem>>
      %dma_start3A_56 = arith.constant 0 : i32
      %dma_start3A_57 = arith.constant 0 : i32
      %dma_start3A_58 = tpu.memref_slice %arg3[%dma_start3A_56, %dma_start3A_57] : memref<1015808x32xf32, #tpu.memory_space<hbm>> -> memref<1015808x32xf32, #tpu.memory_space<hbm>>
      tpu.enqueue_indirect_dma source(%dma_start3A_58 : memref<1015808x32xf32, #tpu.memory_space<hbm>>) target(%dma_start3A_53 : memref<80x32xf32, #tpu.memory_space<vmem>>) offsets(%dma_start3A_55 : memref<80xi32, #tpu.memory_space<vmem>>) semaphore(%arg8 : memref<!tpu.dma_semaphore, #tpu.memory_space<semaphore_mem>>)
      %dma_start3A_59 = arith.constant 400 : i32
      %dma_start3A_60 = arith.constant 0 : i32
      %dma_start3A_61 = tpu.memref_slice %arg6[%dma_start3A_59, %dma_start3A_60] : memref<1600x32xf32, #tpu.memory_space<vmem>> -> memref<80x32xf32, #tpu.memory_space<vmem>>
      %dma_start3A_62 = arith.constant 400 : i32
      %dma_start3A_63 = tpu.memref_slice %arg5[%dma_start3A_62] : memref<1600xi32, #tpu.memory_space<vmem>> -> memref<80xi32, #tpu.memory_space<vmem>>
      %dma_start3A_64 = arith.constant 0 : i32
      %dma_start3A_65 = arith.constant 0 : i32
      %dma_start3A_66 = tpu.memref_slice %arg3[%dma_start3A_64, %dma_start3A_65] : memref<1015808x32xf32, #tpu.memory_space<hbm>> -> memref<1015808x32xf32, #tpu.memory_space<hbm>>
      tpu.enqueue_indirect_dma source(%dma_start3A_66 : memref<1015808x32xf32, #tpu.memory_space<hbm>>) target(%dma_start3A_61 : memref<80x32xf32, #tpu.memory_space<vmem>>) offsets(%dma_start3A_63 : memref<80xi32, #tpu.memory_space<vmem>>) semaphore(%arg8 : memref<!tpu.dma_semaphore, #tpu.memory_space<semaphore_mem>>)
      %dma_start3A_67 = arith.constant 480 : i32
      %dma_start3A_68 = arith.constant 0 : i32
      %dma_start3A_69 = tpu.memref_slice %arg6[%dma_start3A_67, %dma_start3A_68] : memref<1600x32xf32, #tpu.memory_space<vmem>> -> memref<80x32xf32, #tpu.memory_space<vmem>>
      %dma_start3A_70 = arith.constant 480 : i32
      %dma_start3A_71 = tpu.memref_slice %arg5[%dma_start3A_70] : memref<1600xi32, #tpu.memory_space<vmem>> -> memref<80xi32, #tpu.memory_space<vmem>>
      %dma_start3A_72 = arith.constant 0 : i32
      %dma_start3A_73 = arith.constant 0 : i32
      %dma_start3A_74 = tpu.memref_slice %arg3[%dma_start3A_72, %dma_start3A_73] : memref<1015808x32xf32, #tpu.memory_space<hbm>> -> memref<1015808x32xf32, #tpu.memory_space<hbm>>
      tpu.enqueue_indirect_dma source(%dma_start3A_74 : memref<1015808x32xf32, #tpu.memory_space<hbm>>) target(%dma_start3A_69 : memref<80x32xf32, #tpu.memory_space<vmem>>) offsets(%dma_start3A_71 : memref<80xi32, #tpu.memory_space<vmem>>) semaphore(%arg8 : memref<!tpu.dma_semaphore, #tpu.memory_space<semaphore_mem>>)
      %dma_start3A_75 = arith.constant 560 : i32
      %dma_start3A_76 = arith.constant 0 : i32
      %dma_start3A_77 = tpu.memref_slice %arg6[%dma_start3A_75, %dma_start3A_76] : memref<1600x32xf32, #tpu.memory_space<vmem>> -> memref<80x32xf32, #tpu.memory_space<vmem>>
      %dma_start3A_78 = arith.constant 560 : i32
      %dma_start3A_79 = tpu.memref_slice %arg5[%dma_start3A_78] : memref<1600xi32, #tpu.memory_space<vmem>> -> memref<80xi32, #tpu.memory_space<vmem>>
      %dma_start3A_80 = arith.constant 0 : i32
      %dma_start3A_81 = arith.constant 0 : i32
      %dma_start3A_82 = tpu.memref_slice %arg3[%dma_start3A_80, %dma_start3A_81] : memref<1015808x32xf32, #tpu.memory_space<hbm>> -> memref<1015808x32xf32, #tpu.memory_space<hbm>>
      tpu.enqueue_indirect_dma source(%dma_start3A_82 : memref<1015808x32xf32, #tpu.memory_space<hbm>>) target(%dma_start3A_77 : memref<80x32xf32, #tpu.memory_space<vmem>>) offsets(%dma_start3A_79 : memref<80xi32, #tpu.memory_space<vmem>>) semaphore(%arg8 : memref<!tpu.dma_semaphore, #tpu.memory_space<semaphore_mem>>)
      %dma_start3A_83 = arith.constant 640 : i32
      %dma_start3A_84 = arith.constant 0 : i32
      %dma_start3A_85 = tpu.memref_slice %arg6[%dma_start3A_83, %dma_start3A_84] : memref<1600x32xf32, #tpu.memory_space<vmem>> -> memref<80x32xf32, #tpu.memory_space<vmem>>
      %dma_start3A_86 = arith.constant 640 : i32
      %dma_start3A_87 = tpu.memref_slice %arg5[%dma_start3A_86] : memref<1600xi32, #tpu.memory_space<vmem>> -> memref<80xi32, #tpu.memory_space<vmem>>
      %dma_start3A_88 = arith.constant 0 : i32
      %dma_start3A_89 = arith.constant 0 : i32
      %dma_start3A_90 = tpu.memref_slice %arg3[%dma_start3A_88, %dma_start3A_89] : memref<1015808x32xf32, #tpu.memory_space<hbm>> -> memref<1015808x32xf32, #tpu.memory_space<hbm>>
      tpu.enqueue_indirect_dma source(%dma_start3A_90 : memref<1015808x32xf32, #tpu.memory_space<hbm>>) target(%dma_start3A_85 : memref<80x32xf32, #tpu.memory_space<vmem>>) offsets(%dma_start3A_87 : memref<80xi32, #tpu.memory_space<vmem>>) semaphore(%arg8 : memref<!tpu.dma_semaphore, #tpu.memory_space<semaphore_mem>>)
      %dma_start3A_91 = arith.constant 720 : i32
      %dma_start3A_92 = arith.constant 0 : i32
      %dma_start3A_93 = tpu.memref_slice %arg6[%dma_start3A_91, %dma_start3A_92] : memref<1600x32xf32, #tpu.memory_space<vmem>> -> memref<80x32xf32, #tpu.memory_space<vmem>>
      %dma_start3A_94 = arith.constant 720 : i32
      %dma_start3A_95 = tpu.memref_slice %arg5[%dma_start3A_94] : memref<1600xi32, #tpu.memory_space<vmem>> -> memref<80xi32, #tpu.memory_space<vmem>>
      %dma_start3A_96 = arith.constant 0 : i32
      %dma_start3A_97 = arith.constant 0 : i32
      %dma_start3A_98 = tpu.memref_slice %arg3[%dma_start3A_96, %dma_start3A_97] : memref<1015808x32xf32, #tpu.memory_space<hbm>> -> memref<1015808x32xf32, #tpu.memory_space<hbm>>
      tpu.enqueue_indirect_dma source(%dma_start3A_98 : memref<1015808x32xf32, #tpu.memory_space<hbm>>) target(%dma_start3A_93 : memref<80x32xf32, #tpu.memory_space<vmem>>) offsets(%dma_start3A_95 : memref<80xi32, #tpu.memory_space<vmem>>) semaphore(%arg8 : memref<!tpu.dma_semaphore, #tpu.memory_space<semaphore_mem>>)
      %dma_start3A_99 = arith.constant 800 : i32
      %dma_start3A_100 = arith.constant 0 : i32
      %dma_start3A_101 = tpu.memref_slice %arg6[%dma_start3A_99, %dma_start3A_100] : memref<1600x32xf32, #tpu.memory_space<vmem>> -> memref<80x32xf32, #tpu.memory_space<vmem>>
      %dma_start3A_102 = arith.constant 800 : i32
      %dma_start3A_103 = tpu.memref_slice %arg5[%dma_start3A_102] : memref<1600xi32, #tpu.memory_space<vmem>> -> memref<80xi32, #tpu.memory_space<vmem>>
      %dma_start3A_104 = arith.constant 0 : i32
      %dma_start3A_105 = arith.constant 0 : i32
      %dma_start3A_106 = tpu.memref_slice %arg3[%dma_start3A_104, %dma_start3A_105] : memref<1015808x32xf32, #tpu.memory_space<hbm>> -> memref<1015808x32xf32, #tpu.memory_space<hbm>>
      tpu.enqueue_indirect_dma source(%dma_start3A_106 : memref<1015808x32xf32, #tpu.memory_space<hbm>>) target(%dma_start3A_101 : memref<80x32xf32, #tpu.memory_space<vmem>>) offsets(%dma_start3A_103 : memref<80xi32, #tpu.memory_space<vmem>>) semaphore(%arg8 : memref<!tpu.dma_semaphore, #tpu.memory_space<semaphore_mem>>)
      %dma_start3A_107 = arith.constant 880 : i32
      %dma_start3A_108 = arith.constant 0 : i32
      %dma_start3A_109 = tpu.memref_slice %arg6[%dma_start3A_107, %dma_start3A_108] : memref<1600x32xf32, #tpu.memory_space<vmem>> -> memref<80x32xf32, #tpu.memory_space<vmem>>
      %dma_start3A_110 = arith.constant 880 : i32
      %dma_start3A_111 = tpu.memref_slice %arg5[%dma_start3A_110] : memref<1600xi32, #tpu.memory_space<vmem>> -> memref<80xi32, #tpu.memory_space<vmem>>
      %dma_start3A_112 = arith.constant 0 : i32
      %dma_start3A_113 = arith.constant 0 : i32
      %dma_start3A_114 = tpu.memref_slice %arg3[%dma_start3A_112, %dma_start3A_113] : memref<1015808x32xf32, #tpu.memory_space<hbm>> -> memref<1015808x32xf32, #tpu.memory_space<hbm>>
      tpu.enqueue_indirect_dma source(%dma_start3A_114 : memref<1015808x32xf32, #tpu.memory_space<hbm>>) target(%dma_start3A_109 : memref<80x32xf32, #tpu.memory_space<vmem>>) offsets(%dma_start3A_111 : memref<80xi32, #tpu.memory_space<vmem>>) semaphore(%arg8 : memref<!tpu.dma_semaphore, #tpu.memory_space<semaphore_mem>>)
      %dma_start3A_115 = arith.constant 960 : i32
      %dma_start3A_116 = arith.constant 0 : i32
      %dma_start3A_117 = tpu.memref_slice %arg6[%dma_start3A_115, %dma_start3A_116] : memref<1600x32xf32, #tpu.memory_space<vmem>> -> memref<80x32xf32, #tpu.memory_space<vmem>>
      %dma_start3A_118 = arith.constant 960 : i32
      %dma_start3A_119 = tpu.memref_slice %arg5[%dma_start3A_118] : memref<1600xi32, #tpu.memory_space<vmem>> -> memref<80xi32, #tpu.memory_space<vmem>>
      %dma_start3A_120 = arith.constant 0 : i32
      %dma_start3A_121 = arith.constant 0 : i32
      %dma_start3A_122 = tpu.memref_slice %arg3[%dma_start3A_120, %dma_start3A_121] : memref<1015808x32xf32, #tpu.memory_space<hbm>> -> memref<1015808x32xf32, #tpu.memory_space<hbm>>
      tpu.enqueue_indirect_dma source(%dma_start3A_122 : memref<1015808x32xf32, #tpu.memory_space<hbm>>) target(%dma_start3A_117 : memref<80x32xf32, #tpu.memory_space<vmem>>) offsets(%dma_start3A_119 : memref<80xi32, #tpu.memory_space<vmem>>) semaphore(%arg8 : memref<!tpu.dma_semaphore, #tpu.memory_space<semaphore_mem>>)
      %dma_start3A_123 = arith.constant 1040 : i32
      %dma_start3A_124 = arith.constant 0 : i32
      %dma_start3A_125 = tpu.memref_slice %arg6[%dma_start3A_123, %dma_start3A_124] : memref<1600x32xf32, #tpu.memory_space<vmem>> -> memref<80x32xf32, #tpu.memory_space<vmem>>
      %dma_start3A_126 = arith.constant 1040 : i32
      %dma_start3A_127 = tpu.memref_slice %arg5[%dma_start3A_126] : memref<1600xi32, #tpu.memory_space<vmem>> -> memref<80xi32, #tpu.memory_space<vmem>>
      %dma_start3A_128 = arith.constant 0 : i32
      %dma_start3A_129 = arith.constant 0 : i32
      %dma_start3A_130 = tpu.memref_slice %arg3[%dma_start3A_128, %dma_start3A_129] : memref<1015808x32xf32, #tpu.memory_space<hbm>> -> memref<1015808x32xf32, #tpu.memory_space<hbm>>
      tpu.enqueue_indirect_dma source(%dma_start3A_130 : memref<1015808x32xf32, #tpu.memory_space<hbm>>) target(%dma_start3A_125 : memref<80x32xf32, #tpu.memory_space<vmem>>) offsets(%dma_start3A_127 : memref<80xi32, #tpu.memory_space<vmem>>) semaphore(%arg8 : memref<!tpu.dma_semaphore, #tpu.memory_space<semaphore_mem>>)
      %dma_start3A_131 = arith.constant 1120 : i32
      %dma_start3A_132 = arith.constant 0 : i32
      %dma_start3A_133 = tpu.memref_slice %arg6[%dma_start3A_131, %dma_start3A_132] : memref<1600x32xf32, #tpu.memory_space<vmem>> -> memref<80x32xf32, #tpu.memory_space<vmem>>
      %dma_start3A_134 = arith.constant 1120 : i32
      %dma_start3A_135 = tpu.memref_slice %arg5[%dma_start3A_134] : memref<1600xi32, #tpu.memory_space<vmem>> -> memref<80xi32, #tpu.memory_space<vmem>>
      %dma_start3A_136 = arith.constant 0 : i32
      %dma_start3A_137 = arith.constant 0 : i32
      %dma_start3A_138 = tpu.memref_slice %arg3[%dma_start3A_136, %dma_start3A_137] : memref<1015808x32xf32, #tpu.memory_space<hbm>> -> memref<1015808x32xf32, #tpu.memory_space<hbm>>
      tpu.enqueue_indirect_dma source(%dma_start3A_138 : memref<1015808x32xf32, #tpu.memory_space<hbm>>) target(%dma_start3A_133 : memref<80x32xf32, #tpu.memory_space<vmem>>) offsets(%dma_start3A_135 : memref<80xi32, #tpu.memory_space<vmem>>) semaphore(%arg8 : memref<!tpu.dma_semaphore, #tpu.memory_space<semaphore_mem>>)
      %dma_start3A_139 = arith.constant 1200 : i32
      %dma_start3A_140 = arith.constant 0 : i32
      %dma_start3A_141 = tpu.memref_slice %arg6[%dma_start3A_139, %dma_start3A_140] : memref<1600x32xf32, #tpu.memory_space<vmem>> -> memref<80x32xf32, #tpu.memory_space<vmem>>
      %dma_start3A_142 = arith.constant 1200 : i32
      %dma_start3A_143 = tpu.memref_slice %arg5[%dma_start3A_142] : memref<1600xi32, #tpu.memory_space<vmem>> -> memref<80xi32, #tpu.memory_space<vmem>>
      %dma_start3A_144 = arith.constant 0 : i32
      %dma_start3A_145 = arith.constant 0 : i32
      %dma_start3A_146 = tpu.memref_slice %arg3[%dma_start3A_144, %dma_start3A_145] : memref<1015808x32xf32, #tpu.memory_space<hbm>> -> memref<1015808x32xf32, #tpu.memory_space<hbm>>
      tpu.enqueue_indirect_dma source(%dma_start3A_146 : memref<1015808x32xf32, #tpu.memory_space<hbm>>) target(%dma_start3A_141 : memref<80x32xf32, #tpu.memory_space<vmem>>) offsets(%dma_start3A_143 : memref<80xi32, #tpu.memory_space<vmem>>) semaphore(%arg8 : memref<!tpu.dma_semaphore, #tpu.memory_space<semaphore_mem>>)
      %dma_start3A_147 = arith.constant 1280 : i32
      %dma_start3A_148 = arith.constant 0 : i32
      %dma_start3A_149 = tpu.memref_slice %arg6[%dma_start3A_147, %dma_start3A_148] : memref<1600x32xf32, #tpu.memory_space<vmem>> -> memref<80x32xf32, #tpu.memory_space<vmem>>
      %dma_start3A_150 = arith.constant 1280 : i32
      %dma_start3A_151 = tpu.memref_slice %arg5[%dma_start3A_150] : memref<1600xi32, #tpu.memory_space<vmem>> -> memref<80xi32, #tpu.memory_space<vmem>>
      %dma_start3A_152 = arith.constant 0 : i32
      %dma_start3A_153 = arith.constant 0 : i32
      %dma_start3A_154 = tpu.memref_slice %arg3[%dma_start3A_152, %dma_start3A_153] : memref<1015808x32xf32, #tpu.memory_space<hbm>> -> memref<1015808x32xf32, #tpu.memory_space<hbm>>
      tpu.enqueue_indirect_dma source(%dma_start3A_154 : memref<1015808x32xf32, #tpu.memory_space<hbm>>) target(%dma_start3A_149 : memref<80x32xf32, #tpu.memory_space<vmem>>) offsets(%dma_start3A_151 : memref<80xi32, #tpu.memory_space<vmem>>) semaphore(%arg8 : memref<!tpu.dma_semaphore, #tpu.memory_space<semaphore_mem>>)
      %dma_start3A_155 = arith.constant 1360 : i32
      %dma_start3A_156 = arith.constant 0 : i32
      %dma_start3A_157 = tpu.memref_slice %arg6[%dma_start3A_155, %dma_start3A_156] : memref<1600x32xf32, #tpu.memory_space<vmem>> -> memref<80x32xf32, #tpu.memory_space<vmem>>
      %dma_start3A_158 = arith.constant 1360 : i32
      %dma_start3A_159 = tpu.memref_slice %arg5[%dma_start3A_158] : memref<1600xi32, #tpu.memory_space<vmem>> -> memref<80xi32, #tpu.memory_space<vmem>>
      %dma_start3A_160 = arith.constant 0 : i32
      %dma_start3A_161 = arith.constant 0 : i32
      %dma_start3A_162 = tpu.memref_slice %arg3[%dma_start3A_160, %dma_start3A_161] : memref<1015808x32xf32, #tpu.memory_space<hbm>> -> memref<1015808x32xf32, #tpu.memory_space<hbm>>
      tpu.enqueue_indirect_dma source(%dma_start3A_162 : memref<1015808x32xf32, #tpu.memory_space<hbm>>) target(%dma_start3A_157 : memref<80x32xf32, #tpu.memory_space<vmem>>) offsets(%dma_start3A_159 : memref<80xi32, #tpu.memory_space<vmem>>) semaphore(%arg8 : memref<!tpu.dma_semaphore, #tpu.memory_space<semaphore_mem>>)
      %dma_start3A_163 = arith.constant 1440 : i32
      %dma_start3A_164 = arith.constant 0 : i32
      %dma_start3A_165 = tpu.memref_slice %arg6[%dma_start3A_163, %dma_start3A_164] : memref<1600x32xf32, #tpu.memory_space<vmem>> -> memref<80x32xf32, #tpu.memory_space<vmem>>
      %dma_start3A_166 = arith.constant 1440 : i32
      %dma_start3A_167 = tpu.memref_slice %arg5[%dma_start3A_166] : memref<1600xi32, #tpu.memory_space<vmem>> -> memref<80xi32, #tpu.memory_space<vmem>>
      %dma_start3A_168 = arith.constant 0 : i32
      %dma_start3A_169 = arith.constant 0 : i32
      %dma_start3A_170 = tpu.memref_slice %arg3[%dma_start3A_168, %dma_start3A_169] : memref<1015808x32xf32, #tpu.memory_space<hbm>> -> memref<1015808x32xf32, #tpu.memory_space<hbm>>
      tpu.enqueue_indirect_dma source(%dma_start3A_170 : memref<1015808x32xf32, #tpu.memory_space<hbm>>) target(%dma_start3A_165 : memref<80x32xf32, #tpu.memory_space<vmem>>) offsets(%dma_start3A_167 : memref<80xi32, #tpu.memory_space<vmem>>) semaphore(%arg8 : memref<!tpu.dma_semaphore, #tpu.memory_space<semaphore_mem>>)
      %dma_start3A_171 = arith.constant 1520 : i32
      %dma_start3A_172 = arith.constant 0 : i32
      %dma_start3A_173 = tpu.memref_slice %arg6[%dma_start3A_171, %dma_start3A_172] : memref<1600x32xf32, #tpu.memory_space<vmem>> -> memref<80x32xf32, #tpu.memory_space<vmem>>
      %dma_start3A_174 = arith.constant 1520 : i32
      %dma_start3A_175 = tpu.memref_slice %arg5[%dma_start3A_174] : memref<1600xi32, #tpu.memory_space<vmem>> -> memref<80xi32, #tpu.memory_space<vmem>>
      %dma_start3A_176 = arith.constant 0 : i32
      %dma_start3A_177 = arith.constant 0 : i32
      %dma_start3A_178 = tpu.memref_slice %arg3[%dma_start3A_176, %dma_start3A_177] : memref<1015808x32xf32, #tpu.memory_space<hbm>> -> memref<1015808x32xf32, #tpu.memory_space<hbm>>
      tpu.enqueue_indirect_dma source(%dma_start3A_178 : memref<1015808x32xf32, #tpu.memory_space<hbm>>) target(%dma_start3A_173 : memref<80x32xf32, #tpu.memory_space<vmem>>) offsets(%dma_start3A_175 : memref<80xi32, #tpu.memory_space<vmem>>) semaphore(%arg8 : memref<!tpu.dma_semaphore, #tpu.memory_space<semaphore_mem>>)
      %dma_wait3A = arith.constant 0 : i32
      %dma_wait3A_179 = arith.constant 0 : i32
      %dma_wait3A_180 = tpu.memref_slice %arg6[%dma_wait3A, %dma_wait3A_179] : memref<1600x32xf32, #tpu.memory_space<vmem>> -> memref<80x32xf32, #tpu.memory_space<vmem>>
      %dma_wait3A_181 = arith.constant 0 : i32
      %dma_wait3A_182 = tpu.memref_slice %arg5[%dma_wait3A_181] : memref<1600xi32, #tpu.memory_space<vmem>> -> memref<80xi32, #tpu.memory_space<vmem>>
      %dma_wait3A_183 = arith.constant 0 : i32
      %dma_wait3A_184 = arith.constant 0 : i32
      %dma_wait3A_185 = tpu.memref_slice %arg3[%dma_wait3A_183, %dma_wait3A_184] : memref<1015808x32xf32, #tpu.memory_space<hbm>> -> memref<1015808x32xf32, #tpu.memory_space<hbm>>
      tpu.wait_indirect_dma semaphore(%arg8 : memref<!tpu.dma_semaphore, #tpu.memory_space<semaphore_mem>>) src(%dma_wait3A_185 : memref<1015808x32xf32, #tpu.memory_space<hbm>>) dst(%dma_wait3A_180 : memref<80x32xf32, #tpu.memory_space<vmem>>)
      %dma_wait3A_186 = arith.constant 80 : i32
      %dma_wait3A_187 = arith.constant 0 : i32
      %dma_wait3A_188 = tpu.memref_slice %arg6[%dma_wait3A_186, %dma_wait3A_187] : memref<1600x32xf32, #tpu.memory_space<vmem>> -> memref<80x32xf32, #tpu.memory_space<vmem>>
      %dma_wait3A_189 = arith.constant 80 : i32
      %dma_wait3A_190 = tpu.memref_slice %arg5[%dma_wait3A_189] : memref<1600xi32, #tpu.memory_space<vmem>> -> memref<80xi32, #tpu.memory_space<vmem>>
      %dma_wait3A_191 = arith.constant 0 : i32
      %dma_wait3A_192 = arith.constant 0 : i32
      %dma_wait3A_193 = tpu.memref_slice %arg3[%dma_wait3A_191, %dma_wait3A_192] : memref<1015808x32xf32, #tpu.memory_space<hbm>> -> memref<1015808x32xf32, #tpu.memory_space<hbm>>
      tpu.wait_indirect_dma semaphore(%arg8 : memref<!tpu.dma_semaphore, #tpu.memory_space<semaphore_mem>>) src(%dma_wait3A_193 : memref<1015808x32xf32, #tpu.memory_space<hbm>>) dst(%dma_wait3A_188 : memref<80x32xf32, #tpu.memory_space<vmem>>)
      %dma_wait3A_194 = arith.constant 160 : i32
      %dma_wait3A_195 = arith.constant 0 : i32
      %dma_wait3A_196 = tpu.memref_slice %arg6[%dma_wait3A_194, %dma_wait3A_195] : memref<1600x32xf32, #tpu.memory_space<vmem>> -> memref<80x32xf32, #tpu.memory_space<vmem>>
      %dma_wait3A_197 = arith.constant 160 : i32
      %dma_wait3A_198 = tpu.memref_slice %arg5[%dma_wait3A_197] : memref<1600xi32, #tpu.memory_space<vmem>> -> memref<80xi32, #tpu.memory_space<vmem>>
      %dma_wait3A_199 = arith.constant 0 : i32
      %dma_wait3A_200 = arith.constant 0 : i32
      %dma_wait3A_201 = tpu.memref_slice %arg3[%dma_wait3A_199, %dma_wait3A_200] : memref<1015808x32xf32, #tpu.memory_space<hbm>> -> memref<1015808x32xf32, #tpu.memory_space<hbm>>
      tpu.wait_indirect_dma semaphore(%arg8 : memref<!tpu.dma_semaphore, #tpu.memory_space<semaphore_mem>>) src(%dma_wait3A_201 : memref<1015808x32xf32, #tpu.memory_space<hbm>>) dst(%dma_wait3A_196 : memref<80x32xf32, #tpu.memory_space<vmem>>)
      %dma_wait3A_202 = arith.constant 240 : i32
      %dma_wait3A_203 = arith.constant 0 : i32
      %dma_wait3A_204 = tpu.memref_slice %arg6[%dma_wait3A_202, %dma_wait3A_203] : memref<1600x32xf32, #tpu.memory_space<vmem>> -> memref<80x32xf32, #tpu.memory_space<vmem>>
      %dma_wait3A_205 = arith.constant 240 : i32
      %dma_wait3A_206 = tpu.memref_slice %arg5[%dma_wait3A_205] : memref<1600xi32, #tpu.memory_space<vmem>> -> memref<80xi32, #tpu.memory_space<vmem>>
      %dma_wait3A_207 = arith.constant 0 : i32
      %dma_wait3A_208 = arith.constant 0 : i32
      %dma_wait3A_209 = tpu.memref_slice %arg3[%dma_wait3A_207, %dma_wait3A_208] : memref<1015808x32xf32, #tpu.memory_space<hbm>> -> memref<1015808x32xf32, #tpu.memory_space<hbm>>
      tpu.wait_indirect_dma semaphore(%arg8 : memref<!tpu.dma_semaphore, #tpu.memory_space<semaphore_mem>>) src(%dma_wait3A_209 : memref<1015808x32xf32, #tpu.memory_space<hbm>>) dst(%dma_wait3A_204 : memref<80x32xf32, #tpu.memory_space<vmem>>)
      %dma_wait3A_210 = arith.constant 320 : i32
      %dma_wait3A_211 = arith.constant 0 : i32
      %dma_wait3A_212 = tpu.memref_slice %arg6[%dma_wait3A_210, %dma_wait3A_211] : memref<1600x32xf32, #tpu.memory_space<vmem>> -> memref<80x32xf32, #tpu.memory_space<vmem>>
      %dma_wait3A_213 = arith.constant 320 : i32
      %dma_wait3A_214 = tpu.memref_slice %arg5[%dma_wait3A_213] : memref<1600xi32, #tpu.memory_space<vmem>> -> memref<80xi32, #tpu.memory_space<vmem>>
      %dma_wait3A_215 = arith.constant 0 : i32
      %dma_wait3A_216 = arith.constant 0 : i32
      %dma_wait3A_217 = tpu.memref_slice %arg3[%dma_wait3A_215, %dma_wait3A_216] : memref<1015808x32xf32, #tpu.memory_space<hbm>> -> memref<1015808x32xf32, #tpu.memory_space<hbm>>
      tpu.wait_indirect_dma semaphore(%arg8 : memref<!tpu.dma_semaphore, #tpu.memory_space<semaphore_mem>>) src(%dma_wait3A_217 : memref<1015808x32xf32, #tpu.memory_space<hbm>>) dst(%dma_wait3A_212 : memref<80x32xf32, #tpu.memory_space<vmem>>)
      %dma_wait3A_218 = arith.constant 400 : i32
      %dma_wait3A_219 = arith.constant 0 : i32
      %dma_wait3A_220 = tpu.memref_slice %arg6[%dma_wait3A_218, %dma_wait3A_219] : memref<1600x32xf32, #tpu.memory_space<vmem>> -> memref<80x32xf32, #tpu.memory_space<vmem>>
      %dma_wait3A_221 = arith.constant 400 : i32
      %dma_wait3A_222 = tpu.memref_slice %arg5[%dma_wait3A_221] : memref<1600xi32, #tpu.memory_space<vmem>> -> memref<80xi32, #tpu.memory_space<vmem>>
      %dma_wait3A_223 = arith.constant 0 : i32
      %dma_wait3A_224 = arith.constant 0 : i32
      %dma_wait3A_225 = tpu.memref_slice %arg3[%dma_wait3A_223, %dma_wait3A_224] : memref<1015808x32xf32, #tpu.memory_space<hbm>> -> memref<1015808x32xf32, #tpu.memory_space<hbm>>
      tpu.wait_indirect_dma semaphore(%arg8 : memref<!tpu.dma_semaphore, #tpu.memory_space<semaphore_mem>>) src(%dma_wait3A_225 : memref<1015808x32xf32, #tpu.memory_space<hbm>>) dst(%dma_wait3A_220 : memref<80x32xf32, #tpu.memory_space<vmem>>)
      %dma_wait3A_226 = arith.constant 480 : i32
      %dma_wait3A_227 = arith.constant 0 : i32
      %dma_wait3A_228 = tpu.memref_slice %arg6[%dma_wait3A_226, %dma_wait3A_227] : memref<1600x32xf32, #tpu.memory_space<vmem>> -> memref<80x32xf32, #tpu.memory_space<vmem>>
      %dma_wait3A_229 = arith.constant 480 : i32
      %dma_wait3A_230 = tpu.memref_slice %arg5[%dma_wait3A_229] : memref<1600xi32, #tpu.memory_space<vmem>> -> memref<80xi32, #tpu.memory_space<vmem>>
      %dma_wait3A_231 = arith.constant 0 : i32
      %dma_wait3A_232 = arith.constant 0 : i32
      %dma_wait3A_233 = tpu.memref_slice %arg3[%dma_wait3A_231, %dma_wait3A_232] : memref<1015808x32xf32, #tpu.memory_space<hbm>> -> memref<1015808x32xf32, #tpu.memory_space<hbm>>
      tpu.wait_indirect_dma semaphore(%arg8 : memref<!tpu.dma_semaphore, #tpu.memory_space<semaphore_mem>>) src(%dma_wait3A_233 : memref<1015808x32xf32, #tpu.memory_space<hbm>>) dst(%dma_wait3A_228 : memref<80x32xf32, #tpu.memory_space<vmem>>)
      %dma_wait3A_234 = arith.constant 560 : i32
      %dma_wait3A_235 = arith.constant 0 : i32
      %dma_wait3A_236 = tpu.memref_slice %arg6[%dma_wait3A_234, %dma_wait3A_235] : memref<1600x32xf32, #tpu.memory_space<vmem>> -> memref<80x32xf32, #tpu.memory_space<vmem>>
      %dma_wait3A_237 = arith.constant 560 : i32
      %dma_wait3A_238 = tpu.memref_slice %arg5[%dma_wait3A_237] : memref<1600xi32, #tpu.memory_space<vmem>> -> memref<80xi32, #tpu.memory_space<vmem>>
      %dma_wait3A_239 = arith.constant 0 : i32
      %dma_wait3A_240 = arith.constant 0 : i32
      %dma_wait3A_241 = tpu.memref_slice %arg3[%dma_wait3A_239, %dma_wait3A_240] : memref<1015808x32xf32, #tpu.memory_space<hbm>> -> memref<1015808x32xf32, #tpu.memory_space<hbm>>
      tpu.wait_indirect_dma semaphore(%arg8 : memref<!tpu.dma_semaphore, #tpu.memory_space<semaphore_mem>>) src(%dma_wait3A_241 : memref<1015808x32xf32, #tpu.memory_space<hbm>>) dst(%dma_wait3A_236 : memref<80x32xf32, #tpu.memory_space<vmem>>)
      %dma_wait3A_242 = arith.constant 640 : i32
      %dma_wait3A_243 = arith.constant 0 : i32
      %dma_wait3A_244 = tpu.memref_slice %arg6[%dma_wait3A_242, %dma_wait3A_243] : memref<1600x32xf32, #tpu.memory_space<vmem>> -> memref<80x32xf32, #tpu.memory_space<vmem>>
      %dma_wait3A_245 = arith.constant 640 : i32
      %dma_wait3A_246 = tpu.memref_slice %arg5[%dma_wait3A_245] : memref<1600xi32, #tpu.memory_space<vmem>> -> memref<80xi32, #tpu.memory_space<vmem>>
      %dma_wait3A_247 = arith.constant 0 : i32
      %dma_wait3A_248 = arith.constant 0 : i32
      %dma_wait3A_249 = tpu.memref_slice %arg3[%dma_wait3A_247, %dma_wait3A_248] : memref<1015808x32xf32, #tpu.memory_space<hbm>> -> memref<1015808x32xf32, #tpu.memory_space<hbm>>
      tpu.wait_indirect_dma semaphore(%arg8 : memref<!tpu.dma_semaphore, #tpu.memory_space<semaphore_mem>>) src(%dma_wait3A_249 : memref<1015808x32xf32, #tpu.memory_space<hbm>>) dst(%dma_wait3A_244 : memref<80x32xf32, #tpu.memory_space<vmem>>)
      %dma_wait3A_250 = arith.constant 720 : i32
      %dma_wait3A_251 = arith.constant 0 : i32
      %dma_wait3A_252 = tpu.memref_slice %arg6[%dma_wait3A_250, %dma_wait3A_251] : memref<1600x32xf32, #tpu.memory_space<vmem>> -> memref<80x32xf32, #tpu.memory_space<vmem>>
      %dma_wait3A_253 = arith.constant 720 : i32
      %dma_wait3A_254 = tpu.memref_slice %arg5[%dma_wait3A_253] : memref<1600xi32, #tpu.memory_space<vmem>> -> memref<80xi32, #tpu.memory_space<vmem>>
      %dma_wait3A_255 = arith.constant 0 : i32
      %dma_wait3A_256 = arith.constant 0 : i32
      %dma_wait3A_257 = tpu.memref_slice %arg3[%dma_wait3A_255, %dma_wait3A_256] : memref<1015808x32xf32, #tpu.memory_space<hbm>> -> memref<1015808x32xf32, #tpu.memory_space<hbm>>
      tpu.wait_indirect_dma semaphore(%arg8 : memref<!tpu.dma_semaphore, #tpu.memory_space<semaphore_mem>>) src(%dma_wait3A_257 : memref<1015808x32xf32, #tpu.memory_space<hbm>>) dst(%dma_wait3A_252 : memref<80x32xf32, #tpu.memory_space<vmem>>)
      %dma_wait3A_258 = arith.constant 800 : i32
      %dma_wait3A_259 = arith.constant 0 : i32
      %dma_wait3A_260 = tpu.memref_slice %arg6[%dma_wait3A_258, %dma_wait3A_259] : memref<1600x32xf32, #tpu.memory_space<vmem>> -> memref<80x32xf32, #tpu.memory_space<vmem>>
      %dma_wait3A_261 = arith.constant 800 : i32
      %dma_wait3A_262 = tpu.memref_slice %arg5[%dma_wait3A_261] : memref<1600xi32, #tpu.memory_space<vmem>> -> memref<80xi32, #tpu.memory_space<vmem>>
      %dma_wait3A_263 = arith.constant 0 : i32
      %dma_wait3A_264 = arith.constant 0 : i32
      %dma_wait3A_265 = tpu.memref_slice %arg3[%dma_wait3A_263, %dma_wait3A_264] : memref<1015808x32xf32, #tpu.memory_space<hbm>> -> memref<1015808x32xf32, #tpu.memory_space<hbm>>
      tpu.wait_indirect_dma semaphore(%arg8 : memref<!tpu.dma_semaphore, #tpu.memory_space<semaphore_mem>>) src(%dma_wait3A_265 : memref<1015808x32xf32, #tpu.memory_space<hbm>>) dst(%dma_wait3A_260 : memref<80x32xf32, #tpu.memory_space<vmem>>)
      %dma_wait3A_266 = arith.constant 880 : i32
      %dma_wait3A_267 = arith.constant 0 : i32
      %dma_wait3A_268 = tpu.memref_slice %arg6[%dma_wait3A_266, %dma_wait3A_267] : memref<1600x32xf32, #tpu.memory_space<vmem>> -> memref<80x32xf32, #tpu.memory_space<vmem>>
      %dma_wait3A_269 = arith.constant 880 : i32
      %dma_wait3A_270 = tpu.memref_slice %arg5[%dma_wait3A_269] : memref<1600xi32, #tpu.memory_space<vmem>> -> memref<80xi32, #tpu.memory_space<vmem>>
      %dma_wait3A_271 = arith.constant 0 : i32
      %dma_wait3A_272 = arith.constant 0 : i32
      %dma_wait3A_273 = tpu.memref_slice %arg3[%dma_wait3A_271, %dma_wait3A_272] : memref<1015808x32xf32, #tpu.memory_space<hbm>> -> memref<1015808x32xf32, #tpu.memory_space<hbm>>
      tpu.wait_indirect_dma semaphore(%arg8 : memref<!tpu.dma_semaphore, #tpu.memory_space<semaphore_mem>>) src(%dma_wait3A_273 : memref<1015808x32xf32, #tpu.memory_space<hbm>>) dst(%dma_wait3A_268 : memref<80x32xf32, #tpu.memory_space<vmem>>)
      %dma_wait3A_274 = arith.constant 960 : i32
      %dma_wait3A_275 = arith.constant 0 : i32
      %dma_wait3A_276 = tpu.memref_slice %arg6[%dma_wait3A_274, %dma_wait3A_275] : memref<1600x32xf32, #tpu.memory_space<vmem>> -> memref<80x32xf32, #tpu.memory_space<vmem>>
      %dma_wait3A_277 = arith.constant 960 : i32
      %dma_wait3A_278 = tpu.memref_slice %arg5[%dma_wait3A_277] : memref<1600xi32, #tpu.memory_space<vmem>> -> memref<80xi32, #tpu.memory_space<vmem>>
      %dma_wait3A_279 = arith.constant 0 : i32
      %dma_wait3A_280 = arith.constant 0 : i32
      %dma_wait3A_281 = tpu.memref_slice %arg3[%dma_wait3A_279, %dma_wait3A_280] : memref<1015808x32xf32, #tpu.memory_space<hbm>> -> memref<1015808x32xf32, #tpu.memory_space<hbm>>
      tpu.wait_indirect_dma semaphore(%arg8 : memref<!tpu.dma_semaphore, #tpu.memory_space<semaphore_mem>>) src(%dma_wait3A_281 : memref<1015808x32xf32, #tpu.memory_space<hbm>>) dst(%dma_wait3A_276 : memref<80x32xf32, #tpu.memory_space<vmem>>)
      %dma_wait3A_282 = arith.constant 1040 : i32
      %dma_wait3A_283 = arith.constant 0 : i32
      %dma_wait3A_284 = tpu.memref_slice %arg6[%dma_wait3A_282, %dma_wait3A_283] : memref<1600x32xf32, #tpu.memory_space<vmem>> -> memref<80x32xf32, #tpu.memory_space<vmem>>
      %dma_wait3A_285 = arith.constant 1040 : i32
      %dma_wait3A_286 = tpu.memref_slice %arg5[%dma_wait3A_285] : memref<1600xi32, #tpu.memory_space<vmem>> -> memref<80xi32, #tpu.memory_space<vmem>>
      %dma_wait3A_287 = arith.constant 0 : i32
      %dma_wait3A_288 = arith.constant 0 : i32
      %dma_wait3A_289 = tpu.memref_slice %arg3[%dma_wait3A_287, %dma_wait3A_288] : memref<1015808x32xf32, #tpu.memory_space<hbm>> -> memref<1015808x32xf32, #tpu.memory_space<hbm>>
      tpu.wait_indirect_dma semaphore(%arg8 : memref<!tpu.dma_semaphore, #tpu.memory_space<semaphore_mem>>) src(%dma_wait3A_289 : memref<1015808x32xf32, #tpu.memory_space<hbm>>) dst(%dma_wait3A_284 : memref<80x32xf32, #tpu.memory_space<vmem>>)
      %dma_wait3A_290 = arith.constant 1120 : i32
      %dma_wait3A_291 = arith.constant 0 : i32
      %dma_wait3A_292 = tpu.memref_slice %arg6[%dma_wait3A_290, %dma_wait3A_291] : memref<1600x32xf32, #tpu.memory_space<vmem>> -> memref<80x32xf32, #tpu.memory_space<vmem>>
      %dma_wait3A_293 = arith.constant 1120 : i32
      %dma_wait3A_294 = tpu.memref_slice %arg5[%dma_wait3A_293] : memref<1600xi32, #tpu.memory_space<vmem>> -> memref<80xi32, #tpu.memory_space<vmem>>
      %dma_wait3A_295 = arith.constant 0 : i32
      %dma_wait3A_296 = arith.constant 0 : i32
      %dma_wait3A_297 = tpu.memref_slice %arg3[%dma_wait3A_295, %dma_wait3A_296] : memref<1015808x32xf32, #tpu.memory_space<hbm>> -> memref<1015808x32xf32, #tpu.memory_space<hbm>>
      tpu.wait_indirect_dma semaphore(%arg8 : memref<!tpu.dma_semaphore, #tpu.memory_space<semaphore_mem>>) src(%dma_wait3A_297 : memref<1015808x32xf32, #tpu.memory_space<hbm>>) dst(%dma_wait3A_292 : memref<80x32xf32, #tpu.memory_space<vmem>>)
      %dma_wait3A_298 = arith.constant 1200 : i32
      %dma_wait3A_299 = arith.constant 0 : i32
      %dma_wait3A_300 = tpu.memref_slice %arg6[%dma_wait3A_298, %dma_wait3A_299] : memref<1600x32xf32, #tpu.memory_space<vmem>> -> memref<80x32xf32, #tpu.memory_space<vmem>>
      %dma_wait3A_301 = arith.constant 1200 : i32
      %dma_wait3A_302 = tpu.memref_slice %arg5[%dma_wait3A_301] : memref<1600xi32, #tpu.memory_space<vmem>> -> memref<80xi32, #tpu.memory_space<vmem>>
      %dma_wait3A_303 = arith.constant 0 : i32
      %dma_wait3A_304 = arith.constant 0 : i32
      %dma_wait3A_305 = tpu.memref_slice %arg3[%dma_wait3A_303, %dma_wait3A_304] : memref<1015808x32xf32, #tpu.memory_space<hbm>> -> memref<1015808x32xf32, #tpu.memory_space<hbm>>
      tpu.wait_indirect_dma semaphore(%arg8 : memref<!tpu.dma_semaphore, #tpu.memory_space<semaphore_mem>>) src(%dma_wait3A_305 : memref<1015808x32xf32, #tpu.memory_space<hbm>>) dst(%dma_wait3A_300 : memref<80x32xf32, #tpu.memory_space<vmem>>)
      %dma_wait3A_306 = arith.constant 1280 : i32
      %dma_wait3A_307 = arith.constant 0 : i32
      %dma_wait3A_308 = tpu.memref_slice %arg6[%dma_wait3A_306, %dma_wait3A_307] : memref<1600x32xf32, #tpu.memory_space<vmem>> -> memref<80x32xf32, #tpu.memory_space<vmem>>
      %dma_wait3A_309 = arith.constant 1280 : i32
      %dma_wait3A_310 = tpu.memref_slice %arg5[%dma_wait3A_309] : memref<1600xi32, #tpu.memory_space<vmem>> -> memref<80xi32, #tpu.memory_space<vmem>>
      %dma_wait3A_311 = arith.constant 0 : i32
      %dma_wait3A_312 = arith.constant 0 : i32
      %dma_wait3A_313 = tpu.memref_slice %arg3[%dma_wait3A_311, %dma_wait3A_312] : memref<1015808x32xf32, #tpu.memory_space<hbm>> -> memref<1015808x32xf32, #tpu.memory_space<hbm>>
      tpu.wait_indirect_dma semaphore(%arg8 : memref<!tpu.dma_semaphore, #tpu.memory_space<semaphore_mem>>) src(%dma_wait3A_313 : memref<1015808x32xf32, #tpu.memory_space<hbm>>) dst(%dma_wait3A_308 : memref<80x32xf32, #tpu.memory_space<vmem>>)
      %dma_wait3A_314 = arith.constant 1360 : i32
      %dma_wait3A_315 = arith.constant 0 : i32
      %dma_wait3A_316 = tpu.memref_slice %arg6[%dma_wait3A_314, %dma_wait3A_315] : memref<1600x32xf32, #tpu.memory_space<vmem>> -> memref<80x32xf32, #tpu.memory_space<vmem>>
      %dma_wait3A_317 = arith.constant 1360 : i32
      %dma_wait3A_318 = tpu.memref_slice %arg5[%dma_wait3A_317] : memref<1600xi32, #tpu.memory_space<vmem>> -> memref<80xi32, #tpu.memory_space<vmem>>
      %dma_wait3A_319 = arith.constant 0 : i32
      %dma_wait3A_320 = arith.constant 0 : i32
      %dma_wait3A_321 = tpu.memref_slice %arg3[%dma_wait3A_319, %dma_wait3A_320] : memref<1015808x32xf32, #tpu.memory_space<hbm>> -> memref<1015808x32xf32, #tpu.memory_space<hbm>>
      tpu.wait_indirect_dma semaphore(%arg8 : memref<!tpu.dma_semaphore, #tpu.memory_space<semaphore_mem>>) src(%dma_wait3A_321 : memref<1015808x32xf32, #tpu.memory_space<hbm>>) dst(%dma_wait3A_316 : memref<80x32xf32, #tpu.memory_space<vmem>>)
      %dma_wait3A_322 = arith.constant 1440 : i32
      %dma_wait3A_323 = arith.constant 0 : i32
      %dma_wait3A_324 = tpu.memref_slice %arg6[%dma_wait3A_322, %dma_wait3A_323] : memref<1600x32xf32, #tpu.memory_space<vmem>> -> memref<80x32xf32, #tpu.memory_space<vmem>>
      %dma_wait3A_325 = arith.constant 1440 : i32
      %dma_wait3A_326 = tpu.memref_slice %arg5[%dma_wait3A_325] : memref<1600xi32, #tpu.memory_space<vmem>> -> memref<80xi32, #tpu.memory_space<vmem>>
      %dma_wait3A_327 = arith.constant 0 : i32
      %dma_wait3A_328 = arith.constant 0 : i32
      %dma_wait3A_329 = tpu.memref_slice %arg3[%dma_wait3A_327, %dma_wait3A_328] : memref<1015808x32xf32, #tpu.memory_space<hbm>> -> memref<1015808x32xf32, #tpu.memory_space<hbm>>
      tpu.wait_indirect_dma semaphore(%arg8 : memref<!tpu.dma_semaphore, #tpu.memory_space<semaphore_mem>>) src(%dma_wait3A_329 : memref<1015808x32xf32, #tpu.memory_space<hbm>>) dst(%dma_wait3A_324 : memref<80x32xf32, #tpu.memory_space<vmem>>)
      %dma_wait3A_330 = arith.constant 1520 : i32
      %dma_wait3A_331 = arith.constant 0 : i32
      %dma_wait3A_332 = tpu.memref_slice %arg6[%dma_wait3A_330, %dma_wait3A_331] : memref<1600x32xf32, #tpu.memory_space<vmem>> -> memref<80x32xf32, #tpu.memory_space<vmem>>
      %dma_wait3A_333 = arith.constant 1520 : i32
      %dma_wait3A_334 = tpu.memref_slice %arg5[%dma_wait3A_333] : memref<1600xi32, #tpu.memory_space<vmem>> -> memref<80xi32, #tpu.memory_space<vmem>>
      %dma_wait3A_335 = arith.constant 0 : i32
      %dma_wait3A_336 = arith.constant 0 : i32
      %dma_wait3A_337 = tpu.memref_slice %arg3[%dma_wait3A_335, %dma_wait3A_336] : memref<1015808x32xf32, #tpu.memory_space<hbm>> -> memref<1015808x32xf32, #tpu.memory_space<hbm>>
      tpu.wait_indirect_dma semaphore(%arg8 : memref<!tpu.dma_semaphore, #tpu.memory_space<semaphore_mem>>) src(%dma_wait3A_337 : memref<1015808x32xf32, #tpu.memory_space<hbm>>) dst(%dma_wait3A_332 : memref<80x32xf32, #tpu.memory_space<vmem>>)
      %scan3A_338 = arith.constant 0 : i32
      %scan3A_339 = arith.constant 0 : i32
      %scan3A_340 = arith.constant 32 : i32
      %scan3A_341 = arith.addi %scan3A_339, %scan3A_340 : i32
      %scan3A_342 = arith.constant 1 : i32
      scf.for %scan3A_344 = %scan3A_339 to %scan3A_341 step %scan3A_342  : i32 {
        %mul3A_345 = arith.constant 50 : i32
        %mul3A_346 = arith.muli %scan3A_344, %mul3A_345 : i32
        %broadcast_in_dim3A = arith.constant 0.000000e+00 : f32
        %broadcast_in_dim3A_347 = vector.broadcast %broadcast_in_dim3A : f32 to vector<16xf32>
        %broadcast_in_dim3A_348 = arith.constant 0.000000e+00 : f32
        %broadcast_in_dim3A_349 = vector.broadcast %broadcast_in_dim3A_348 : f32 to vector<16xf32>
        %add3A_350 = arith.constant 0 : i32
        %add3A_351 = arith.addi %mul3A_346, %add3A_350 : i32
        %get3A = arith.index_cast %add3A_351 : i32 to index
        %get3A_352 = arith.constant 0 : index
        %get3A_353 = tpu.vector_load %arg6[%get3A, %get3A_352] {strides = array<i32>} : memref<1600x32xf32, #tpu.memory_space<vmem>>, vector<1x16xf32>,
        %get3A_354 = vector.shape_cast %get3A_353 : vector<1x16xf32> to vector<16xf32>
        %add3A_355 = arith.addf %broadcast_in_dim3A_347, %get3A_354 : vector<16xf32>
        %add3A_356 = arith.constant 0 : i32
        %add3A_357 = arith.addi %mul3A_346, %add3A_356 : i32
        %get3A_358 = arith.index_cast %add3A_357 : i32 to index
        %get3A_359 = arith.constant 16 : index
        %get3A_360 = tpu.vector_load %arg6[%get3A_358, %get3A_359] {strides = array<i32>} : memref<1600x32xf32, #tpu.memory_space<vmem>>, vector<1x16xf32>,
        %get3A_361 = vector.shape_cast %get3A_360 : vector<1x16xf32> to vector<16xf32>
        %add3A_362 = arith.addf %broadcast_in_dim3A_349, %get3A_361 : vector<16xf32>
        %add3A_363 = arith.constant 1 : i32
        %add3A_364 = arith.addi %mul3A_346, %add3A_363 : i32
        %get3A_365 = arith.index_cast %add3A_364 : i32 to index
        %get3A_366 = arith.constant 0 : index
        %get3A_367 = tpu.vector_load %arg6[%get3A_365, %get3A_366] {strides = array<i32>} : memref<1600x32xf32, #tpu.memory_space<vmem>>, vector<1x16xf32>,
        %get3A_368 = vector.shape_cast %get3A_367 : vector<1x16xf32> to vector<16xf32>
        %add3A_369 = arith.addf %add3A_355, %get3A_368 : vector<16xf32>
        %add3A_370 = arith.constant 1 : i32
        %add3A_371 = arith.addi %mul3A_346, %add3A_370 : i32
        %get3A_372 = arith.index_cast %add3A_371 : i32 to index
        %get3A_373 = arith.constant 16 : index
        %get3A_374 = tpu.vector_load %arg6[%get3A_372, %get3A_373] {strides = array<i32>} : memref<1600x32xf32, #tpu.memory_space<vmem>>, vector<1x16xf32>,
        %get3A_375 = vector.shape_cast %get3A_374 : vector<1x16xf32> to vector<16xf32>
        %add3A_376 = arith.addf %add3A_362, %get3A_375 : vector<16xf32>
        %add3A_377 = arith.constant 2 : i32
        %add3A_378 = arith.addi %mul3A_346, %add3A_377 : i32
        %get3A_379 = arith.index_cast %add3A_378 : i32 to index
        %get3A_380 = arith.constant 0 : index
        %get3A_381 = tpu.vector_load %arg6[%get3A_379, %get3A_380] {strides = array<i32>} : memref<1600x32xf32, #tpu.memory_space<vmem>>, vector<1x16xf32>,
        %get3A_382 = vector.shape_cast %get3A_381 : vector<1x16xf32> to vector<16xf32>
        %add3A_383 = arith.addf %add3A_369, %get3A_382 : vector<16xf32>
        %add3A_384 = arith.constant 2 : i32
        %add3A_385 = arith.addi %mul3A_346, %add3A_384 : i32
        %get3A_386 = arith.index_cast %add3A_385 : i32 to index
        %get3A_387 = arith.constant 16 : index
        %get3A_388 = tpu.vector_load %arg6[%get3A_386, %get3A_387] {strides = array<i32>} : memref<1600x32xf32, #tpu.memory_space<vmem>>, vector<1x16xf32>,
        %get3A_389 = vector.shape_cast %get3A_388 : vector<1x16xf32> to vector<16xf32>
        %add3A_390 = arith.addf %add3A_376, %get3A_389 : vector<16xf32>
        %add3A_391 = arith.constant 3 : i32
        %add3A_392 = arith.addi %mul3A_346, %add3A_391 : i32
        %get3A_393 = arith.index_cast %add3A_392 : i32 to index
        %get3A_394 = arith.constant 0 : index
        %get3A_395 = tpu.vector_load %arg6[%get3A_393, %get3A_394] {strides = array<i32>} : memref<1600x32xf32, #tpu.memory_space<vmem>>, vector<1x16xf32>,
        %get3A_396 = vector.shape_cast %get3A_395 : vector<1x16xf32> to vector<16xf32>
        %add3A_397 = arith.addf %add3A_383, %get3A_396 : vector<16xf32>
        %add3A_398 = arith.constant 3 : i32
        %add3A_399 = arith.addi %mul3A_346, %add3A_398 : i32
        %get3A_400 = arith.index_cast %add3A_399 : i32 to index
        %get3A_401 = arith.constant 16 : index
        %get3A_402 = tpu.vector_load %arg6[%get3A_400, %get3A_401] {strides = array<i32>} : memref<1600x32xf32, #tpu.memory_space<vmem>>, vector<1x16xf32>,
        %get3A_403 = vector.shape_cast %get3A_402 : vector<1x16xf32> to vector<16xf32>
        %add3A_404 = arith.addf %add3A_390, %get3A_403 : vector<16xf32>
        %add3A_405 = arith.constant 4 : i32
        %add3A_406 = arith.addi %mul3A_346, %add3A_405 : i32
        %get3A_407 = arith.index_cast %add3A_406 : i32 to index
        %get3A_408 = arith.constant 0 : index
        %get3A_409 = tpu.vector_load %arg6[%get3A_407, %get3A_408] {strides = array<i32>} : memref<1600x32xf32, #tpu.memory_space<vmem>>, vector<1x16xf32>,
        %get3A_410 = vector.shape_cast %get3A_409 : vector<1x16xf32> to vector<16xf32>
        %add3A_411 = arith.addf %add3A_397, %get3A_410 : vector<16xf32>
        %add3A_412 = arith.constant 4 : i32
        %add3A_413 = arith.addi %mul3A_346, %add3A_412 : i32
        %get3A_414 = arith.index_cast %add3A_413 : i32 to index
        %get3A_415 = arith.constant 16 : index
        %get3A_416 = tpu.vector_load %arg6[%get3A_414, %get3A_415] {strides = array<i32>} : memref<1600x32xf32, #tpu.memory_space<vmem>>, vector<1x16xf32>,
        %get3A_417 = vector.shape_cast %get3A_416 : vector<1x16xf32> to vector<16xf32>
        %add3A_418 = arith.addf %add3A_404, %get3A_417 : vector<16xf32>
        %add3A_419 = arith.constant 5 : i32
        %add3A_420 = arith.addi %mul3A_346, %add3A_419 : i32
        %get3A_421 = arith.index_cast %add3A_420 : i32 to index
        %get3A_422 = arith.constant 0 : index
        %get3A_423 = tpu.vector_load %arg6[%get3A_421, %get3A_422] {strides = array<i32>} : memref<1600x32xf32, #tpu.memory_space<vmem>>, vector<1x16xf32>,
        %get3A_424 = vector.shape_cast %get3A_423 : vector<1x16xf32> to vector<16xf32>
        %add3A_425 = arith.addf %add3A_411, %get3A_424 : vector<16xf32>
        %add3A_426 = arith.constant 5 : i32
        %add3A_427 = arith.addi %mul3A_346, %add3A_426 : i32
        %get3A_428 = arith.index_cast %add3A_427 : i32 to index
        %get3A_429 = arith.constant 16 : index
        %get3A_430 = tpu.vector_load %arg6[%get3A_428, %get3A_429] {strides = array<i32>} : memref<1600x32xf32, #tpu.memory_space<vmem>>, vector<1x16xf32>,
        %get3A_431 = vector.shape_cast %get3A_430 : vector<1x16xf32> to vector<16xf32>
        %add3A_432 = arith.addf %add3A_418, %get3A_431 : vector<16xf32>
        %add3A_433 = arith.constant 6 : i32
        %add3A_434 = arith.addi %mul3A_346, %add3A_433 : i32
        %get3A_435 = arith.index_cast %add3A_434 : i32 to index
        %get3A_436 = arith.constant 0 : index
        %get3A_437 = tpu.vector_load %arg6[%get3A_435, %get3A_436] {strides = array<i32>} : memref<1600x32xf32, #tpu.memory_space<vmem>>, vector<1x16xf32>,
        %get3A_438 = vector.shape_cast %get3A_437 : vector<1x16xf32> to vector<16xf32>
        %add3A_439 = arith.addf %add3A_425, %get3A_438 : vector<16xf32>
        %add3A_440 = arith.constant 6 : i32
        %add3A_441 = arith.addi %mul3A_346, %add3A_440 : i32
        %get3A_442 = arith.index_cast %add3A_441 : i32 to index
        %get3A_443 = arith.constant 16 : index
        %get3A_444 = tpu.vector_load %arg6[%get3A_442, %get3A_443] {strides = array<i32>} : memref<1600x32xf32, #tpu.memory_space<vmem>>, vector<1x16xf32>,
        %get3A_445 = vector.shape_cast %get3A_444 : vector<1x16xf32> to vector<16xf32>
        %add3A_446 = arith.addf %add3A_432, %get3A_445 : vector<16xf32>
        %add3A_447 = arith.constant 7 : i32
        %add3A_448 = arith.addi %mul3A_346, %add3A_447 : i32
        %get3A_449 = arith.index_cast %add3A_448 : i32 to index
        %get3A_450 = arith.constant 0 : index
        %get3A_451 = tpu.vector_load %arg6[%get3A_449, %get3A_450] {strides = array<i32>} : memref<1600x32xf32, #tpu.memory_space<vmem>>, vector<1x16xf32>,
        %get3A_452 = vector.shape_cast %get3A_451 : vector<1x16xf32> to vector<16xf32>
        %add3A_453 = arith.addf %add3A_439, %get3A_452 : vector<16xf32>
        %add3A_454 = arith.constant 7 : i32
        %add3A_455 = arith.addi %mul3A_346, %add3A_454 : i32
        %get3A_456 = arith.index_cast %add3A_455 : i32 to index
        %get3A_457 = arith.constant 16 : index
        %get3A_458 = tpu.vector_load %arg6[%get3A_456, %get3A_457] {strides = array<i32>} : memref<1600x32xf32, #tpu.memory_space<vmem>>, vector<1x16xf32>,
        %get3A_459 = vector.shape_cast %get3A_458 : vector<1x16xf32> to vector<16xf32>
        %add3A_460 = arith.addf %add3A_446, %get3A_459 : vector<16xf32>
        %add3A_461 = arith.constant 8 : i32
        %add3A_462 = arith.addi %mul3A_346, %add3A_461 : i32
        %get3A_463 = arith.index_cast %add3A_462 : i32 to index
        %get3A_464 = arith.constant 0 : index
        %get3A_465 = tpu.vector_load %arg6[%get3A_463, %get3A_464] {strides = array<i32>} : memref<1600x32xf32, #tpu.memory_space<vmem>>, vector<1x16xf32>,
        %get3A_466 = vector.shape_cast %get3A_465 : vector<1x16xf32> to vector<16xf32>
        %add3A_467 = arith.addf %add3A_453, %get3A_466 : vector<16xf32>
        %add3A_468 = arith.constant 8 : i32
        %add3A_469 = arith.addi %mul3A_346, %add3A_468 : i32
        %get3A_470 = arith.index_cast %add3A_469 : i32 to index
        %get3A_471 = arith.constant 16 : index
        %get3A_472 = tpu.vector_load %arg6[%get3A_470, %get3A_471] {strides = array<i32>} : memref<1600x32xf32, #tpu.memory_space<vmem>>, vector<1x16xf32>,
        %get3A_473 = vector.shape_cast %get3A_472 : vector<1x16xf32> to vector<16xf32>
        %add3A_474 = arith.addf %add3A_460, %get3A_473 : vector<16xf32>
        %add3A_475 = arith.constant 9 : i32
        %add3A_476 = arith.addi %mul3A_346, %add3A_475 : i32
        %get3A_477 = arith.index_cast %add3A_476 : i32 to index
        %get3A_478 = arith.constant 0 : index
        %get3A_479 = tpu.vector_load %arg6[%get3A_477, %get3A_478] {strides = array<i32>} : memref<1600x32xf32, #tpu.memory_space<vmem>>, vector<1x16xf32>,
        %get3A_480 = vector.shape_cast %get3A_479 : vector<1x16xf32> to vector<16xf32>
        %add3A_481 = arith.addf %add3A_467, %get3A_480 : vector<16xf32>
        %add3A_482 = arith.constant 9 : i32
        %add3A_483 = arith.addi %mul3A_346, %add3A_482 : i32
        %get3A_484 = arith.index_cast %add3A_483 : i32 to index
        %get3A_485 = arith.constant 16 : index
        %get3A_486 = tpu.vector_load %arg6[%get3A_484, %get3A_485] {strides = array<i32>} : memref<1600x32xf32, #tpu.memory_space<vmem>>, vector<1x16xf32>,
        %get3A_487 = vector.shape_cast %get3A_486 : vector<1x16xf32> to vector<16xf32>
        %add3A_488 = arith.addf %add3A_474, %get3A_487 : vector<16xf32>
        %add3A_489 = arith.constant 10 : i32
        %add3A_490 = arith.addi %mul3A_346, %add3A_489 : i32
        %get3A_491 = arith.index_cast %add3A_490 : i32 to index
        %get3A_492 = arith.constant 0 : index
        %get3A_493 = tpu.vector_load %arg6[%get3A_491, %get3A_492] {strides = array<i32>} : memref<1600x32xf32, #tpu.memory_space<vmem>>, vector<1x16xf32>,
        %get3A_494 = vector.shape_cast %get3A_493 : vector<1x16xf32> to vector<16xf32>
        %add3A_495 = arith.addf %add3A_481, %get3A_494 : vector<16xf32>
        %add3A_496 = arith.constant 10 : i32
        %add3A_497 = arith.addi %mul3A_346, %add3A_496 : i32
        %get3A_498 = arith.index_cast %add3A_497 : i32 to index
        %get3A_499 = arith.constant 16 : index
        %get3A_500 = tpu.vector_load %arg6[%get3A_498, %get3A_499] {strides = array<i32>} : memref<1600x32xf32, #tpu.memory_space<vmem>>, vector<1x16xf32>,
        %get3A_501 = vector.shape_cast %get3A_500 : vector<1x16xf32> to vector<16xf32>
        %add3A_502 = arith.addf %add3A_488, %get3A_501 : vector<16xf32>
        %add3A_503 = arith.constant 11 : i32
        %add3A_504 = arith.addi %mul3A_346, %add3A_503 : i32
        %get3A_505 = arith.index_cast %add3A_504 : i32 to index
        %get3A_506 = arith.constant 0 : index
        %get3A_507 = tpu.vector_load %arg6[%get3A_505, %get3A_506] {strides = array<i32>} : memref<1600x32xf32, #tpu.memory_space<vmem>>, vector<1x16xf32>,
        %get3A_508 = vector.shape_cast %get3A_507 : vector<1x16xf32> to vector<16xf32>
        %add3A_509 = arith.addf %add3A_495, %get3A_508 : vector<16xf32>
        %add3A_510 = arith.constant 11 : i32
        %add3A_511 = arith.addi %mul3A_346, %add3A_510 : i32
        %get3A_512 = arith.index_cast %add3A_511 : i32 to index
        %get3A_513 = arith.constant 16 : index
        %get3A_514 = tpu.vector_load %arg6[%get3A_512, %get3A_513] {strides = array<i32>} : memref<1600x32xf32, #tpu.memory_space<vmem>>, vector<1x16xf32>,
        %get3A_515 = vector.shape_cast %get3A_514 : vector<1x16xf32> to vector<16xf32>
        %add3A_516 = arith.addf %add3A_502, %get3A_515 : vector<16xf32>
        %add3A_517 = arith.constant 12 : i32
        %add3A_518 = arith.addi %mul3A_346, %add3A_517 : i32
        %get3A_519 = arith.index_cast %add3A_518 : i32 to index
        %get3A_520 = arith.constant 0 : index
        %get3A_521 = tpu.vector_load %arg6[%get3A_519, %get3A_520] {strides = array<i32>} : memref<1600x32xf32, #tpu.memory_space<vmem>>, vector<1x16xf32>,
        %get3A_522 = vector.shape_cast %get3A_521 : vector<1x16xf32> to vector<16xf32>
        %add3A_523 = arith.addf %add3A_509, %get3A_522 : vector<16xf32>
        %add3A_524 = arith.constant 12 : i32
        %add3A_525 = arith.addi %mul3A_346, %add3A_524 : i32
        %get3A_526 = arith.index_cast %add3A_525 : i32 to index
        %get3A_527 = arith.constant 16 : index
        %get3A_528 = tpu.vector_load %arg6[%get3A_526, %get3A_527] {strides = array<i32>} : memref<1600x32xf32, #tpu.memory_space<vmem>>, vector<1x16xf32>,
        %get3A_529 = vector.shape_cast %get3A_528 : vector<1x16xf32> to vector<16xf32>
        %add3A_530 = arith.addf %add3A_516, %get3A_529 : vector<16xf32>
        %add3A_531 = arith.constant 13 : i32
        %add3A_532 = arith.addi %mul3A_346, %add3A_531 : i32
        %get3A_533 = arith.index_cast %add3A_532 : i32 to index
        %get3A_534 = arith.constant 0 : index
        %get3A_535 = tpu.vector_load %arg6[%get3A_533, %get3A_534] {strides = array<i32>} : memref<1600x32xf32, #tpu.memory_space<vmem>>, vector<1x16xf32>,
        %get3A_536 = vector.shape_cast %get3A_535 : vector<1x16xf32> to vector<16xf32>
        %add3A_537 = arith.addf %add3A_523, %get3A_536 : vector<16xf32>
        %add3A_538 = arith.constant 13 : i32
        %add3A_539 = arith.addi %mul3A_346, %add3A_538 : i32
        %get3A_540 = arith.index_cast %add3A_539 : i32 to index
        %get3A_541 = arith.constant 16 : index
        %get3A_542 = tpu.vector_load %arg6[%get3A_540, %get3A_541] {strides = array<i32>} : memref<1600x32xf32, #tpu.memory_space<vmem>>, vector<1x16xf32>,
        %get3A_543 = vector.shape_cast %get3A_542 : vector<1x16xf32> to vector<16xf32>
        %add3A_544 = arith.addf %add3A_530, %get3A_543 : vector<16xf32>
        %add3A_545 = arith.constant 14 : i32
        %add3A_546 = arith.addi %mul3A_346, %add3A_545 : i32
        %get3A_547 = arith.index_cast %add3A_546 : i32 to index
        %get3A_548 = arith.constant 0 : index
        %get3A_549 = tpu.vector_load %arg6[%get3A_547, %get3A_548] {strides = array<i32>} : memref<1600x32xf32, #tpu.memory_space<vmem>>, vector<1x16xf32>,
        %get3A_550 = vector.shape_cast %get3A_549 : vector<1x16xf32> to vector<16xf32>
        %add3A_551 = arith.addf %add3A_537, %get3A_550 : vector<16xf32>
        %add3A_552 = arith.constant 14 : i32
        %add3A_553 = arith.addi %mul3A_346, %add3A_552 : i32
        %get3A_554 = arith.index_cast %add3A_553 : i32 to index
        %get3A_555 = arith.constant 16 : index
        %get3A_556 = tpu.vector_load %arg6[%get3A_554, %get3A_555] {strides = array<i32>} : memref<1600x32xf32, #tpu.memory_space<vmem>>, vector<1x16xf32>,
        %get3A_557 = vector.shape_cast %get3A_556 : vector<1x16xf32> to vector<16xf32>
        %add3A_558 = arith.addf %add3A_544, %get3A_557 : vector<16xf32>
        %add3A_559 = arith.constant 15 : i32
        %add3A_560 = arith.addi %mul3A_346, %add3A_559 : i32
        %get3A_561 = arith.index_cast %add3A_560 : i32 to index
        %get3A_562 = arith.constant 0 : index
        %get3A_563 = tpu.vector_load %arg6[%get3A_561, %get3A_562] {strides = array<i32>} : memref<1600x32xf32, #tpu.memory_space<vmem>>, vector<1x16xf32>,
        %get3A_564 = vector.shape_cast %get3A_563 : vector<1x16xf32> to vector<16xf32>
        %add3A_565 = arith.addf %add3A_551, %get3A_564 : vector<16xf32>
        %add3A_566 = arith.constant 15 : i32
        %add3A_567 = arith.addi %mul3A_346, %add3A_566 : i32
        %get3A_568 = arith.index_cast %add3A_567 : i32 to index
        %get3A_569 = arith.constant 16 : index
        %get3A_570 = tpu.vector_load %arg6[%get3A_568, %get3A_569] {strides = array<i32>} : memref<1600x32xf32, #tpu.memory_space<vmem>>, vector<1x16xf32>,
        %get3A_571 = vector.shape_cast %get3A_570 : vector<1x16xf32> to vector<16xf32>
        %add3A_572 = arith.addf %add3A_558, %get3A_571 : vector<16xf32>
        %add3A_573 = arith.constant 16 : i32
        %add3A_574 = arith.addi %mul3A_346, %add3A_573 : i32
        %get3A_575 = arith.index_cast %add3A_574 : i32 to index
        %get3A_576 = arith.constant 0 : index
        %get3A_577 = tpu.vector_load %arg6[%get3A_575, %get3A_576] {strides = array<i32>} : memref<1600x32xf32, #tpu.memory_space<vmem>>, vector<1x16xf32>,
        %get3A_578 = vector.shape_cast %get3A_577 : vector<1x16xf32> to vector<16xf32>
        %add3A_579 = arith.addf %add3A_565, %get3A_578 : vector<16xf32>
        %add3A_580 = arith.constant 16 : i32
        %add3A_581 = arith.addi %mul3A_346, %add3A_580 : i32
        %get3A_582 = arith.index_cast %add3A_581 : i32 to index
        %get3A_583 = arith.constant 16 : index
        %get3A_584 = tpu.vector_load %arg6[%get3A_582, %get3A_583] {strides = array<i32>} : memref<1600x32xf32, #tpu.memory_space<vmem>>, vector<1x16xf32>,
        %get3A_585 = vector.shape_cast %get3A_584 : vector<1x16xf32> to vector<16xf32>
        %add3A_586 = arith.addf %add3A_572, %get3A_585 : vector<16xf32>
        %add3A_587 = arith.constant 17 : i32
        %add3A_588 = arith.addi %mul3A_346, %add3A_587 : i32
        %get3A_589 = arith.index_cast %add3A_588 : i32 to index
        %get3A_590 = arith.constant 0 : index
        %get3A_591 = tpu.vector_load %arg6[%get3A_589, %get3A_590] {strides = array<i32>} : memref<1600x32xf32, #tpu.memory_space<vmem>>, vector<1x16xf32>,
        %get3A_592 = vector.shape_cast %get3A_591 : vector<1x16xf32> to vector<16xf32>
        %add3A_593 = arith.addf %add3A_579, %get3A_592 : vector<16xf32>
        %add3A_594 = arith.constant 17 : i32
        %add3A_595 = arith.addi %mul3A_346, %add3A_594 : i32
        %get3A_596 = arith.index_cast %add3A_595 : i32 to index
        %get3A_597 = arith.constant 16 : index
        %get3A_598 = tpu.vector_load %arg6[%get3A_596, %get3A_597] {strides = array<i32>} : memref<1600x32xf32, #tpu.memory_space<vmem>>, vector<1x16xf32>,
        %get3A_599 = vector.shape_cast %get3A_598 : vector<1x16xf32> to vector<16xf32>
        %add3A_600 = arith.addf %add3A_586, %get3A_599 : vector<16xf32>
        %add3A_601 = arith.constant 18 : i32
        %add3A_602 = arith.addi %mul3A_346, %add3A_601 : i32
        %get3A_603 = arith.index_cast %add3A_602 : i32 to index
        %get3A_604 = arith.constant 0 : index
        %get3A_605 = tpu.vector_load %arg6[%get3A_603, %get3A_604] {strides = array<i32>} : memref<1600x32xf32, #tpu.memory_space<vmem>>, vector<1x16xf32>,
        %get3A_606 = vector.shape_cast %get3A_605 : vector<1x16xf32> to vector<16xf32>
        %add3A_607 = arith.addf %add3A_593, %get3A_606 : vector<16xf32>
        %add3A_608 = arith.constant 18 : i32
        %add3A_609 = arith.addi %mul3A_346, %add3A_608 : i32
        %get3A_610 = arith.index_cast %add3A_609 : i32 to index
        %get3A_611 = arith.constant 16 : index
        %get3A_612 = tpu.vector_load %arg6[%get3A_610, %get3A_611] {strides = array<i32>} : memref<1600x32xf32, #tpu.memory_space<vmem>>, vector<1x16xf32>,
        %get3A_613 = vector.shape_cast %get3A_612 : vector<1x16xf32> to vector<16xf32>
        %add3A_614 = arith.addf %add3A_600, %get3A_613 : vector<16xf32>
        %add3A_615 = arith.constant 19 : i32
        %add3A_616 = arith.addi %mul3A_346, %add3A_615 : i32
        %get3A_617 = arith.index_cast %add3A_616 : i32 to index
        %get3A_618 = arith.constant 0 : index
        %get3A_619 = tpu.vector_load %arg6[%get3A_617, %get3A_618] {strides = array<i32>} : memref<1600x32xf32, #tpu.memory_space<vmem>>, vector<1x16xf32>,
        %get3A_620 = vector.shape_cast %get3A_619 : vector<1x16xf32> to vector<16xf32>
        %add3A_621 = arith.addf %add3A_607, %get3A_620 : vector<16xf32>
        %add3A_622 = arith.constant 19 : i32
        %add3A_623 = arith.addi %mul3A_346, %add3A_622 : i32
        %get3A_624 = arith.index_cast %add3A_623 : i32 to index
        %get3A_625 = arith.constant 16 : index
        %get3A_626 = tpu.vector_load %arg6[%get3A_624, %get3A_625] {strides = array<i32>} : memref<1600x32xf32, #tpu.memory_space<vmem>>, vector<1x16xf32>,
        %get3A_627 = vector.shape_cast %get3A_626 : vector<1x16xf32> to vector<16xf32>
        %add3A_628 = arith.addf %add3A_614, %get3A_627 : vector<16xf32>
        %add3A_629 = arith.constant 20 : i32
        %add3A_630 = arith.addi %mul3A_346, %add3A_629 : i32
        %get3A_631 = arith.index_cast %add3A_630 : i32 to index
        %get3A_632 = arith.constant 0 : index
        %get3A_633 = tpu.vector_load %arg6[%get3A_631, %get3A_632] {strides = array<i32>} : memref<1600x32xf32, #tpu.memory_space<vmem>>, vector<1x16xf32>,
        %get3A_634 = vector.shape_cast %get3A_633 : vector<1x16xf32> to vector<16xf32>
        %add3A_635 = arith.addf %add3A_621, %get3A_634 : vector<16xf32>
        %add3A_636 = arith.constant 20 : i32
        %add3A_637 = arith.addi %mul3A_346, %add3A_636 : i32
        %get3A_638 = arith.index_cast %add3A_637 : i32 to index
        %get3A_639 = arith.constant 16 : index
        %get3A_640 = tpu.vector_load %arg6[%get3A_638, %get3A_639] {strides = array<i32>} : memref<1600x32xf32, #tpu.memory_space<vmem>>, vector<1x16xf32>,
        %get3A_641 = vector.shape_cast %get3A_640 : vector<1x16xf32> to vector<16xf32>
        %add3A_642 = arith.addf %add3A_628, %get3A_641 : vector<16xf32>
        %add3A_643 = arith.constant 21 : i32
        %add3A_644 = arith.addi %mul3A_346, %add3A_643 : i32
        %get3A_645 = arith.index_cast %add3A_644 : i32 to index
        %get3A_646 = arith.constant 0 : index
        %get3A_647 = tpu.vector_load %arg6[%get3A_645, %get3A_646] {strides = array<i32>} : memref<1600x32xf32, #tpu.memory_space<vmem>>, vector<1x16xf32>,
        %get3A_648 = vector.shape_cast %get3A_647 : vector<1x16xf32> to vector<16xf32>
        %add3A_649 = arith.addf %add3A_635, %get3A_648 : vector<16xf32>
        %add3A_650 = arith.constant 21 : i32
        %add3A_651 = arith.addi %mul3A_346, %add3A_650 : i32
        %get3A_652 = arith.index_cast %add3A_651 : i32 to index
        %get3A_653 = arith.constant 16 : index
        %get3A_654 = tpu.vector_load %arg6[%get3A_652, %get3A_653] {strides = array<i32>} : memref<1600x32xf32, #tpu.memory_space<vmem>>, vector<1x16xf32>,
        %get3A_655 = vector.shape_cast %get3A_654 : vector<1x16xf32> to vector<16xf32>
        %add3A_656 = arith.addf %add3A_642, %get3A_655 : vector<16xf32>
        %add3A_657 = arith.constant 22 : i32
        %add3A_658 = arith.addi %mul3A_346, %add3A_657 : i32
        %get3A_659 = arith.index_cast %add3A_658 : i32 to index
        %get3A_660 = arith.constant 0 : index
        %get3A_661 = tpu.vector_load %arg6[%get3A_659, %get3A_660] {strides = array<i32>} : memref<1600x32xf32, #tpu.memory_space<vmem>>, vector<1x16xf32>,
        %get3A_662 = vector.shape_cast %get3A_661 : vector<1x16xf32> to vector<16xf32>
        %add3A_663 = arith.addf %add3A_649, %get3A_662 : vector<16xf32>
        %add3A_664 = arith.constant 22 : i32
        %add3A_665 = arith.addi %mul3A_346, %add3A_664 : i32
        %get3A_666 = arith.index_cast %add3A_665 : i32 to index
        %get3A_667 = arith.constant 16 : index
        %get3A_668 = tpu.vector_load %arg6[%get3A_666, %get3A_667] {strides = array<i32>} : memref<1600x32xf32, #tpu.memory_space<vmem>>, vector<1x16xf32>,
        %get3A_669 = vector.shape_cast %get3A_668 : vector<1x16xf32> to vector<16xf32>
        %add3A_670 = arith.addf %add3A_656, %get3A_669 : vector<16xf32>
        %add3A_671 = arith.constant 23 : i32
        %add3A_672 = arith.addi %mul3A_346, %add3A_671 : i32
        %get3A_673 = arith.index_cast %add3A_672 : i32 to index
        %get3A_674 = arith.constant 0 : index
        %get3A_675 = tpu.vector_load %arg6[%get3A_673, %get3A_674] {strides = array<i32>} : memref<1600x32xf32, #tpu.memory_space<vmem>>, vector<1x16xf32>,
        %get3A_676 = vector.shape_cast %get3A_675 : vector<1x16xf32> to vector<16xf32>
        %add3A_677 = arith.addf %add3A_663, %get3A_676 : vector<16xf32>
        %add3A_678 = arith.constant 23 : i32
        %add3A_679 = arith.addi %mul3A_346, %add3A_678 : i32
        %get3A_680 = arith.index_cast %add3A_679 : i32 to index
        %get3A_681 = arith.constant 16 : index
        %get3A_682 = tpu.vector_load %arg6[%get3A_680, %get3A_681] {strides = array<i32>} : memref<1600x32xf32, #tpu.memory_space<vmem>>, vector<1x16xf32>,
        %get3A_683 = vector.shape_cast %get3A_682 : vector<1x16xf32> to vector<16xf32>
        %add3A_684 = arith.addf %add3A_670, %get3A_683 : vector<16xf32>
        %add3A_685 = arith.constant 24 : i32
        %add3A_686 = arith.addi %mul3A_346, %add3A_685 : i32
        %get3A_687 = arith.index_cast %add3A_686 : i32 to index
        %get3A_688 = arith.constant 0 : index
        %get3A_689 = tpu.vector_load %arg6[%get3A_687, %get3A_688] {strides = array<i32>} : memref<1600x32xf32, #tpu.memory_space<vmem>>, vector<1x16xf32>,
        %get3A_690 = vector.shape_cast %get3A_689 : vector<1x16xf32> to vector<16xf32>
        %add3A_691 = arith.addf %add3A_677, %get3A_690 : vector<16xf32>
        %add3A_692 = arith.constant 24 : i32
        %add3A_693 = arith.addi %mul3A_346, %add3A_692 : i32
        %get3A_694 = arith.index_cast %add3A_693 : i32 to index
        %get3A_695 = arith.constant 16 : index
        %get3A_696 = tpu.vector_load %arg6[%get3A_694, %get3A_695] {strides = array<i32>} : memref<1600x32xf32, #tpu.memory_space<vmem>>, vector<1x16xf32>,
        %get3A_697 = vector.shape_cast %get3A_696 : vector<1x16xf32> to vector<16xf32>
        %add3A_698 = arith.addf %add3A_684, %get3A_697 : vector<16xf32>
        %add3A_699 = arith.constant 25 : i32
        %add3A_700 = arith.addi %mul3A_346, %add3A_699 : i32
        %get3A_701 = arith.index_cast %add3A_700 : i32 to index
        %get3A_702 = arith.constant 0 : index
        %get3A_703 = tpu.vector_load %arg6[%get3A_701, %get3A_702] {strides = array<i32>} : memref<1600x32xf32, #tpu.memory_space<vmem>>, vector<1x16xf32>,
        %get3A_704 = vector.shape_cast %get3A_703 : vector<1x16xf32> to vector<16xf32>
        %add3A_705 = arith.addf %add3A_691, %get3A_704 : vector<16xf32>
        %add3A_706 = arith.constant 25 : i32
        %add3A_707 = arith.addi %mul3A_346, %add3A_706 : i32
        %get3A_708 = arith.index_cast %add3A_707 : i32 to index
        %get3A_709 = arith.constant 16 : index
        %get3A_710 = tpu.vector_load %arg6[%get3A_708, %get3A_709] {strides = array<i32>} : memref<1600x32xf32, #tpu.memory_space<vmem>>, vector<1x16xf32>,
        %get3A_711 = vector.shape_cast %get3A_710 : vector<1x16xf32> to vector<16xf32>
        %add3A_712 = arith.addf %add3A_698, %get3A_711 : vector<16xf32>
        %add3A_713 = arith.constant 26 : i32
        %add3A_714 = arith.addi %mul3A_346, %add3A_713 : i32
        %get3A_715 = arith.index_cast %add3A_714 : i32 to index
        %get3A_716 = arith.constant 0 : index
        %get3A_717 = tpu.vector_load %arg6[%get3A_715, %get3A_716] {strides = array<i32>} : memref<1600x32xf32, #tpu.memory_space<vmem>>, vector<1x16xf32>,
        %get3A_718 = vector.shape_cast %get3A_717 : vector<1x16xf32> to vector<16xf32>
        %add3A_719 = arith.addf %add3A_705, %get3A_718 : vector<16xf32>
        %add3A_720 = arith.constant 26 : i32
        %add3A_721 = arith.addi %mul3A_346, %add3A_720 : i32
        %get3A_722 = arith.index_cast %add3A_721 : i32 to index
        %get3A_723 = arith.constant 16 : index
        %get3A_724 = tpu.vector_load %arg6[%get3A_722, %get3A_723] {strides = array<i32>} : memref<1600x32xf32, #tpu.memory_space<vmem>>, vector<1x16xf32>,
        %get3A_725 = vector.shape_cast %get3A_724 : vector<1x16xf32> to vector<16xf32>
        %add3A_726 = arith.addf %add3A_712, %get3A_725 : vector<16xf32>
        %add3A_727 = arith.constant 27 : i32
        %add3A_728 = arith.addi %mul3A_346, %add3A_727 : i32
        %get3A_729 = arith.index_cast %add3A_728 : i32 to index
        %get3A_730 = arith.constant 0 : index
        %get3A_731 = tpu.vector_load %arg6[%get3A_729, %get3A_730] {strides = array<i32>} : memref<1600x32xf32, #tpu.memory_space<vmem>>, vector<1x16xf32>,
        %get3A_732 = vector.shape_cast %get3A_731 : vector<1x16xf32> to vector<16xf32>
        %add3A_733 = arith.addf %add3A_719, %get3A_732 : vector<16xf32>
        %add3A_734 = arith.constant 27 : i32
        %add3A_735 = arith.addi %mul3A_346, %add3A_734 : i32
        %get3A_736 = arith.index_cast %add3A_735 : i32 to index
        %get3A_737 = arith.constant 16 : index
        %get3A_738 = tpu.vector_load %arg6[%get3A_736, %get3A_737] {strides = array<i32>} : memref<1600x32xf32, #tpu.memory_space<vmem>>, vector<1x16xf32>,
        %get3A_739 = vector.shape_cast %get3A_738 : vector<1x16xf32> to vector<16xf32>
        %add3A_740 = arith.addf %add3A_726, %get3A_739 : vector<16xf32>
        %add3A_741 = arith.constant 28 : i32
        %add3A_742 = arith.addi %mul3A_346, %add3A_741 : i32
        %get3A_743 = arith.index_cast %add3A_742 : i32 to index
        %get3A_744 = arith.constant 0 : index
        %get3A_745 = tpu.vector_load %arg6[%get3A_743, %get3A_744] {strides = array<i32>} : memref<1600x32xf32, #tpu.memory_space<vmem>>, vector<1x16xf32>,
        %get3A_746 = vector.shape_cast %get3A_745 : vector<1x16xf32> to vector<16xf32>
        %add3A_747 = arith.addf %add3A_733, %get3A_746 : vector<16xf32>
        %add3A_748 = arith.constant 28 : i32
        %add3A_749 = arith.addi %mul3A_346, %add3A_748 : i32
        %get3A_750 = arith.index_cast %add3A_749 : i32 to index
        %get3A_751 = arith.constant 16 : index
        %get3A_752 = tpu.vector_load %arg6[%get3A_750, %get3A_751] {strides = array<i32>} : memref<1600x32xf32, #tpu.memory_space<vmem>>, vector<1x16xf32>,
        %get3A_753 = vector.shape_cast %get3A_752 : vector<1x16xf32> to vector<16xf32>
        %add3A_754 = arith.addf %add3A_740, %get3A_753 : vector<16xf32>
        %add3A_755 = arith.constant 29 : i32
        %add3A_756 = arith.addi %mul3A_346, %add3A_755 : i32
        %get3A_757 = arith.index_cast %add3A_756 : i32 to index
        %get3A_758 = arith.constant 0 : index
        %get3A_759 = tpu.vector_load %arg6[%get3A_757, %get3A_758] {strides = array<i32>} : memref<1600x32xf32, #tpu.memory_space<vmem>>, vector<1x16xf32>,
        %get3A_760 = vector.shape_cast %get3A_759 : vector<1x16xf32> to vector<16xf32>
        %add3A_761 = arith.addf %add3A_747, %get3A_760 : vector<16xf32>
        %add3A_762 = arith.constant 29 : i32
        %add3A_763 = arith.addi %mul3A_346, %add3A_762 : i32
        %get3A_764 = arith.index_cast %add3A_763 : i32 to index
        %get3A_765 = arith.constant 16 : index
        %get3A_766 = tpu.vector_load %arg6[%get3A_764, %get3A_765] {strides = array<i32>} : memref<1600x32xf32, #tpu.memory_space<vmem>>, vector<1x16xf32>,
        %get3A_767 = vector.shape_cast %get3A_766 : vector<1x16xf32> to vector<16xf32>
        %add3A_768 = arith.addf %add3A_754, %get3A_767 : vector<16xf32>
        %add3A_769 = arith.constant 30 : i32
        %add3A_770 = arith.addi %mul3A_346, %add3A_769 : i32
        %get3A_771 = arith.index_cast %add3A_770 : i32 to index
        %get3A_772 = arith.constant 0 : index
        %get3A_773 = tpu.vector_load %arg6[%get3A_771, %get3A_772] {strides = array<i32>} : memref<1600x32xf32, #tpu.memory_space<vmem>>, vector<1x16xf32>,
        %get3A_774 = vector.shape_cast %get3A_773 : vector<1x16xf32> to vector<16xf32>
        %add3A_775 = arith.addf %add3A_761, %get3A_774 : vector<16xf32>
        %add3A_776 = arith.constant 30 : i32
        %add3A_777 = arith.addi %mul3A_346, %add3A_776 : i32
        %get3A_778 = arith.index_cast %add3A_777 : i32 to index
        %get3A_779 = arith.constant 16 : index
        %get3A_780 = tpu.vector_load %arg6[%get3A_778, %get3A_779] {strides = array<i32>} : memref<1600x32xf32, #tpu.memory_space<vmem>>, vector<1x16xf32>,
        %get3A_781 = vector.shape_cast %get3A_780 : vector<1x16xf32> to vector<16xf32>
        %add3A_782 = arith.addf %add3A_768, %get3A_781 : vector<16xf32>
        %add3A_783 = arith.constant 31 : i32
        %add3A_784 = arith.addi %mul3A_346, %add3A_783 : i32
        %get3A_785 = arith.index_cast %add3A_784 : i32 to index
        %get3A_786 = arith.constant 0 : index
        %get3A_787 = tpu.vector_load %arg6[%get3A_785, %get3A_786] {strides = array<i32>} : memref<1600x32xf32, #tpu.memory_space<vmem>>, vector<1x16xf32>,
        %get3A_788 = vector.shape_cast %get3A_787 : vector<1x16xf32> to vector<16xf32>
        %add3A_789 = arith.addf %add3A_775, %get3A_788 : vector<16xf32>
        %add3A_790 = arith.constant 31 : i32
        %add3A_791 = arith.addi %mul3A_346, %add3A_790 : i32
        %get3A_792 = arith.index_cast %add3A_791 : i32 to index
        %get3A_793 = arith.constant 16 : index
        %get3A_794 = tpu.vector_load %arg6[%get3A_792, %get3A_793] {strides = array<i32>} : memref<1600x32xf32, #tpu.memory_space<vmem>>, vector<1x16xf32>,
        %get3A_795 = vector.shape_cast %get3A_794 : vector<1x16xf32> to vector<16xf32>
        %add3A_796 = arith.addf %add3A_782, %get3A_795 : vector<16xf32>
        %add3A_797 = arith.constant 32 : i32
        %add3A_798 = arith.addi %mul3A_346, %add3A_797 : i32
        %get3A_799 = arith.index_cast %add3A_798 : i32 to index
        %get3A_800 = arith.constant 0 : index
        %get3A_801 = tpu.vector_load %arg6[%get3A_799, %get3A_800] {strides = array<i32>} : memref<1600x32xf32, #tpu.memory_space<vmem>>, vector<1x16xf32>,
        %get3A_802 = vector.shape_cast %get3A_801 : vector<1x16xf32> to vector<16xf32>
        %add3A_803 = arith.addf %add3A_789, %get3A_802 : vector<16xf32>
        %add3A_804 = arith.constant 32 : i32
        %add3A_805 = arith.addi %mul3A_346, %add3A_804 : i32
        %get3A_806 = arith.index_cast %add3A_805 : i32 to index
        %get3A_807 = arith.constant 16 : index
        %get3A_808 = tpu.vector_load %arg6[%get3A_806, %get3A_807] {strides = array<i32>} : memref<1600x32xf32, #tpu.memory_space<vmem>>, vector<1x16xf32>,
        %get3A_809 = vector.shape_cast %get3A_808 : vector<1x16xf32> to vector<16xf32>
        %add3A_810 = arith.addf %add3A_796, %get3A_809 : vector<16xf32>
        %add3A_811 = arith.constant 33 : i32
        %add3A_812 = arith.addi %mul3A_346, %add3A_811 : i32
        %get3A_813 = arith.index_cast %add3A_812 : i32 to index
        %get3A_814 = arith.constant 0 : index
        %get3A_815 = tpu.vector_load %arg6[%get3A_813, %get3A_814] {strides = array<i32>} : memref<1600x32xf32, #tpu.memory_space<vmem>>, vector<1x16xf32>,
        %get3A_816 = vector.shape_cast %get3A_815 : vector<1x16xf32> to vector<16xf32>
        %add3A_817 = arith.addf %add3A_803, %get3A_816 : vector<16xf32>
        %add3A_818 = arith.constant 33 : i32
        %add3A_819 = arith.addi %mul3A_346, %add3A_818 : i32
        %get3A_820 = arith.index_cast %add3A_819 : i32 to index
        %get3A_821 = arith.constant 16 : index
        %get3A_822 = tpu.vector_load %arg6[%get3A_820, %get3A_821] {strides = array<i32>} : memref<1600x32xf32, #tpu.memory_space<vmem>>, vector<1x16xf32>,
        %get3A_823 = vector.shape_cast %get3A_822 : vector<1x16xf32> to vector<16xf32>
        %add3A_824 = arith.addf %add3A_810, %get3A_823 : vector<16xf32>
        %add3A_825 = arith.constant 34 : i32
        %add3A_826 = arith.addi %mul3A_346, %add3A_825 : i32
        %get3A_827 = arith.index_cast %add3A_826 : i32 to index
        %get3A_828 = arith.constant 0 : index
        %get3A_829 = tpu.vector_load %arg6[%get3A_827, %get3A_828] {strides = array<i32>} : memref<1600x32xf32, #tpu.memory_space<vmem>>, vector<1x16xf32>,
        %get3A_830 = vector.shape_cast %get3A_829 : vector<1x16xf32> to vector<16xf32>
        %add3A_831 = arith.addf %add3A_817, %get3A_830 : vector<16xf32>
        %add3A_832 = arith.constant 34 : i32
        %add3A_833 = arith.addi %mul3A_346, %add3A_832 : i32
        %get3A_834 = arith.index_cast %add3A_833 : i32 to index
        %get3A_835 = arith.constant 16 : index
        %get3A_836 = tpu.vector_load %arg6[%get3A_834, %get3A_835] {strides = array<i32>} : memref<1600x32xf32, #tpu.memory_space<vmem>>, vector<1x16xf32>,
        %get3A_837 = vector.shape_cast %get3A_836 : vector<1x16xf32> to vector<16xf32>
        %add3A_838 = arith.addf %add3A_824, %get3A_837 : vector<16xf32>
        %add3A_839 = arith.constant 35 : i32
        %add3A_840 = arith.addi %mul3A_346, %add3A_839 : i32
        %get3A_841 = arith.index_cast %add3A_840 : i32 to index
        %get3A_842 = arith.constant 0 : index
        %get3A_843 = tpu.vector_load %arg6[%get3A_841, %get3A_842] {strides = array<i32>} : memref<1600x32xf32, #tpu.memory_space<vmem>>, vector<1x16xf32>,
        %get3A_844 = vector.shape_cast %get3A_843 : vector<1x16xf32> to vector<16xf32>
        %add3A_845 = arith.addf %add3A_831, %get3A_844 : vector<16xf32>
        %add3A_846 = arith.constant 35 : i32
        %add3A_847 = arith.addi %mul3A_346, %add3A_846 : i32
        %get3A_848 = arith.index_cast %add3A_847 : i32 to index
        %get3A_849 = arith.constant 16 : index
        %get3A_850 = tpu.vector_load %arg6[%get3A_848, %get3A_849] {strides = array<i32>} : memref<1600x32xf32, #tpu.memory_space<vmem>>, vector<1x16xf32>,
        %get3A_851 = vector.shape_cast %get3A_850 : vector<1x16xf32> to vector<16xf32>
        %add3A_852 = arith.addf %add3A_838, %get3A_851 : vector<16xf32>
        %add3A_853 = arith.constant 36 : i32
        %add3A_854 = arith.addi %mul3A_346, %add3A_853 : i32
        %get3A_855 = arith.index_cast %add3A_854 : i32 to index
        %get3A_856 = arith.constant 0 : index
        %get3A_857 = tpu.vector_load %arg6[%get3A_855, %get3A_856] {strides = array<i32>} : memref<1600x32xf32, #tpu.memory_space<vmem>>, vector<1x16xf32>,
        %get3A_858 = vector.shape_cast %get3A_857 : vector<1x16xf32> to vector<16xf32>
        %add3A_859 = arith.addf %add3A_845, %get3A_858 : vector<16xf32>
        %add3A_860 = arith.constant 36 : i32
        %add3A_861 = arith.addi %mul3A_346, %add3A_860 : i32
        %get3A_862 = arith.index_cast %add3A_861 : i32 to index
        %get3A_863 = arith.constant 16 : index
        %get3A_864 = tpu.vector_load %arg6[%get3A_862, %get3A_863] {strides = array<i32>} : memref<1600x32xf32, #tpu.memory_space<vmem>>, vector<1x16xf32>,
        %get3A_865 = vector.shape_cast %get3A_864 : vector<1x16xf32> to vector<16xf32>
        %add3A_866 = arith.addf %add3A_852, %get3A_865 : vector<16xf32>
        %add3A_867 = arith.constant 37 : i32
        %add3A_868 = arith.addi %mul3A_346, %add3A_867 : i32
        %get3A_869 = arith.index_cast %add3A_868 : i32 to index
        %get3A_870 = arith.constant 0 : index
        %get3A_871 = tpu.vector_load %arg6[%get3A_869, %get3A_870] {strides = array<i32>} : memref<1600x32xf32, #tpu.memory_space<vmem>>, vector<1x16xf32>,
        %get3A_872 = vector.shape_cast %get3A_871 : vector<1x16xf32> to vector<16xf32>
        %add3A_873 = arith.addf %add3A_859, %get3A_872 : vector<16xf32>
        %add3A_874 = arith.constant 37 : i32
        %add3A_875 = arith.addi %mul3A_346, %add3A_874 : i32
        %get3A_876 = arith.index_cast %add3A_875 : i32 to index
        %get3A_877 = arith.constant 16 : index
        %get3A_878 = tpu.vector_load %arg6[%get3A_876, %get3A_877] {strides = array<i32>} : memref<1600x32xf32, #tpu.memory_space<vmem>>, vector<1x16xf32>,
        %get3A_879 = vector.shape_cast %get3A_878 : vector<1x16xf32> to vector<16xf32>
        %add3A_880 = arith.addf %add3A_866, %get3A_879 : vector<16xf32>
        %add3A_881 = arith.constant 38 : i32
        %add3A_882 = arith.addi %mul3A_346, %add3A_881 : i32
        %get3A_883 = arith.index_cast %add3A_882 : i32 to index
        %get3A_884 = arith.constant 0 : index
        %get3A_885 = tpu.vector_load %arg6[%get3A_883, %get3A_884] {strides = array<i32>} : memref<1600x32xf32, #tpu.memory_space<vmem>>, vector<1x16xf32>,
        %get3A_886 = vector.shape_cast %get3A_885 : vector<1x16xf32> to vector<16xf32>
        %add3A_887 = arith.addf %add3A_873, %get3A_886 : vector<16xf32>
        %add3A_888 = arith.constant 38 : i32
        %add3A_889 = arith.addi %mul3A_346, %add3A_888 : i32
        %get3A_890 = arith.index_cast %add3A_889 : i32 to index
        %get3A_891 = arith.constant 16 : index
        %get3A_892 = tpu.vector_load %arg6[%get3A_890, %get3A_891] {strides = array<i32>} : memref<1600x32xf32, #tpu.memory_space<vmem>>, vector<1x16xf32>,
        %get3A_893 = vector.shape_cast %get3A_892 : vector<1x16xf32> to vector<16xf32>
        %add3A_894 = arith.addf %add3A_880, %get3A_893 : vector<16xf32>
        %add3A_895 = arith.constant 39 : i32
        %add3A_896 = arith.addi %mul3A_346, %add3A_895 : i32
        %get3A_897 = arith.index_cast %add3A_896 : i32 to index
        %get3A_898 = arith.constant 0 : index
        %get3A_899 = tpu.vector_load %arg6[%get3A_897, %get3A_898] {strides = array<i32>} : memref<1600x32xf32, #tpu.memory_space<vmem>>, vector<1x16xf32>,
        %get3A_900 = vector.shape_cast %get3A_899 : vector<1x16xf32> to vector<16xf32>
        %add3A_901 = arith.addf %add3A_887, %get3A_900 : vector<16xf32>
        %add3A_902 = arith.constant 39 : i32
        %add3A_903 = arith.addi %mul3A_346, %add3A_902 : i32
        %get3A_904 = arith.index_cast %add3A_903 : i32 to index
        %get3A_905 = arith.constant 16 : index
        %get3A_906 = tpu.vector_load %arg6[%get3A_904, %get3A_905] {strides = array<i32>} : memref<1600x32xf32, #tpu.memory_space<vmem>>, vector<1x16xf32>,
        %get3A_907 = vector.shape_cast %get3A_906 : vector<1x16xf32> to vector<16xf32>
        %add3A_908 = arith.addf %add3A_894, %get3A_907 : vector<16xf32>
        %add3A_909 = arith.constant 40 : i32
        %add3A_910 = arith.addi %mul3A_346, %add3A_909 : i32
        %get3A_911 = arith.index_cast %add3A_910 : i32 to index
        %get3A_912 = arith.constant 0 : index
        %get3A_913 = tpu.vector_load %arg6[%get3A_911, %get3A_912] {strides = array<i32>} : memref<1600x32xf32, #tpu.memory_space<vmem>>, vector<1x16xf32>,
        %get3A_914 = vector.shape_cast %get3A_913 : vector<1x16xf32> to vector<16xf32>
        %add3A_915 = arith.addf %add3A_901, %get3A_914 : vector<16xf32>
        %add3A_916 = arith.constant 40 : i32
        %add3A_917 = arith.addi %mul3A_346, %add3A_916 : i32
        %get3A_918 = arith.index_cast %add3A_917 : i32 to index
        %get3A_919 = arith.constant 16 : index
        %get3A_920 = tpu.vector_load %arg6[%get3A_918, %get3A_919] {strides = array<i32>} : memref<1600x32xf32, #tpu.memory_space<vmem>>, vector<1x16xf32>,
        %get3A_921 = vector.shape_cast %get3A_920 : vector<1x16xf32> to vector<16xf32>
        %add3A_922 = arith.addf %add3A_908, %get3A_921 : vector<16xf32>
        %add3A_923 = arith.constant 41 : i32
        %add3A_924 = arith.addi %mul3A_346, %add3A_923 : i32
        %get3A_925 = arith.index_cast %add3A_924 : i32 to index
        %get3A_926 = arith.constant 0 : index
        %get3A_927 = tpu.vector_load %arg6[%get3A_925, %get3A_926] {strides = array<i32>} : memref<1600x32xf32, #tpu.memory_space<vmem>>, vector<1x16xf32>,
        %get3A_928 = vector.shape_cast %get3A_927 : vector<1x16xf32> to vector<16xf32>
        %add3A_929 = arith.addf %add3A_915, %get3A_928 : vector<16xf32>
        %add3A_930 = arith.constant 41 : i32
        %add3A_931 = arith.addi %mul3A_346, %add3A_930 : i32
        %get3A_932 = arith.index_cast %add3A_931 : i32 to index
        %get3A_933 = arith.constant 16 : index
        %get3A_934 = tpu.vector_load %arg6[%get3A_932, %get3A_933] {strides = array<i32>} : memref<1600x32xf32, #tpu.memory_space<vmem>>, vector<1x16xf32>,
        %get3A_935 = vector.shape_cast %get3A_934 : vector<1x16xf32> to vector<16xf32>
        %add3A_936 = arith.addf %add3A_922, %get3A_935 : vector<16xf32>
        %add3A_937 = arith.constant 42 : i32
        %add3A_938 = arith.addi %mul3A_346, %add3A_937 : i32
        %get3A_939 = arith.index_cast %add3A_938 : i32 to index
        %get3A_940 = arith.constant 0 : index
        %get3A_941 = tpu.vector_load %arg6[%get3A_939, %get3A_940] {strides = array<i32>} : memref<1600x32xf32, #tpu.memory_space<vmem>>, vector<1x16xf32>,
        %get3A_942 = vector.shape_cast %get3A_941 : vector<1x16xf32> to vector<16xf32>
        %add3A_943 = arith.addf %add3A_929, %get3A_942 : vector<16xf32>
        %add3A_944 = arith.constant 42 : i32
        %add3A_945 = arith.addi %mul3A_346, %add3A_944 : i32
        %get3A_946 = arith.index_cast %add3A_945 : i32 to index
        %get3A_947 = arith.constant 16 : index
        %get3A_948 = tpu.vector_load %arg6[%get3A_946, %get3A_947] {strides = array<i32>} : memref<1600x32xf32, #tpu.memory_space<vmem>>, vector<1x16xf32>,
        %get3A_949 = vector.shape_cast %get3A_948 : vector<1x16xf32> to vector<16xf32>
        %add3A_950 = arith.addf %add3A_936, %get3A_949 : vector<16xf32>
        %add3A_951 = arith.constant 43 : i32
        %add3A_952 = arith.addi %mul3A_346, %add3A_951 : i32
        %get3A_953 = arith.index_cast %add3A_952 : i32 to index
        %get3A_954 = arith.constant 0 : index
        %get3A_955 = tpu.vector_load %arg6[%get3A_953, %get3A_954] {strides = array<i32>} : memref<1600x32xf32, #tpu.memory_space<vmem>>, vector<1x16xf32>,
        %get3A_956 = vector.shape_cast %get3A_955 : vector<1x16xf32> to vector<16xf32>
        %add3A_957 = arith.addf %add3A_943, %get3A_956 : vector<16xf32>
        %add3A_958 = arith.constant 43 : i32
        %add3A_959 = arith.addi %mul3A_346, %add3A_958 : i32
        %get3A_960 = arith.index_cast %add3A_959 : i32 to index
        %get3A_961 = arith.constant 16 : index
        %get3A_962 = tpu.vector_load %arg6[%get3A_960, %get3A_961] {strides = array<i32>} : memref<1600x32xf32, #tpu.memory_space<vmem>>, vector<1x16xf32>,
        %get3A_963 = vector.shape_cast %get3A_962 : vector<1x16xf32> to vector<16xf32>
        %add3A_964 = arith.addf %add3A_950, %get3A_963 : vector<16xf32>
        %add3A_965 = arith.constant 44 : i32
        %add3A_966 = arith.addi %mul3A_346, %add3A_965 : i32
        %get3A_967 = arith.index_cast %add3A_966 : i32 to index
        %get3A_968 = arith.constant 0 : index
        %get3A_969 = tpu.vector_load %arg6[%get3A_967, %get3A_968] {strides = array<i32>} : memref<1600x32xf32, #tpu.memory_space<vmem>>, vector<1x16xf32>,
        %get3A_970 = vector.shape_cast %get3A_969 : vector<1x16xf32> to vector<16xf32>
        %add3A_971 = arith.addf %add3A_957, %get3A_970 : vector<16xf32>
        %add3A_972 = arith.constant 44 : i32
        %add3A_973 = arith.addi %mul3A_346, %add3A_972 : i32
        %get3A_974 = arith.index_cast %add3A_973 : i32 to index
        %get3A_975 = arith.constant 16 : index
        %get3A_976 = tpu.vector_load %arg6[%get3A_974, %get3A_975] {strides = array<i32>} : memref<1600x32xf32, #tpu.memory_space<vmem>>, vector<1x16xf32>,
        %get3A_977 = vector.shape_cast %get3A_976 : vector<1x16xf32> to vector<16xf32>
        %add3A_978 = arith.addf %add3A_964, %get3A_977 : vector<16xf32>
        %add3A_979 = arith.constant 45 : i32
        %add3A_980 = arith.addi %mul3A_346, %add3A_979 : i32
        %get3A_981 = arith.index_cast %add3A_980 : i32 to index
        %get3A_982 = arith.constant 0 : index
        %get3A_983 = tpu.vector_load %arg6[%get3A_981, %get3A_982] {strides = array<i32>} : memref<1600x32xf32, #tpu.memory_space<vmem>>, vector<1x16xf32>,
        %get3A_984 = vector.shape_cast %get3A_983 : vector<1x16xf32> to vector<16xf32>
        %add3A_985 = arith.addf %add3A_971, %get3A_984 : vector<16xf32>
        %add3A_986 = arith.constant 45 : i32
        %add3A_987 = arith.addi %mul3A_346, %add3A_986 : i32
        %get3A_988 = arith.index_cast %add3A_987 : i32 to index
        %get3A_989 = arith.constant 16 : index
        %get3A_990 = tpu.vector_load %arg6[%get3A_988, %get3A_989] {strides = array<i32>} : memref<1600x32xf32, #tpu.memory_space<vmem>>, vector<1x16xf32>,
        %get3A_991 = vector.shape_cast %get3A_990 : vector<1x16xf32> to vector<16xf32>
        %add3A_992 = arith.addf %add3A_978, %get3A_991 : vector<16xf32>
        %add3A_993 = arith.constant 46 : i32
        %add3A_994 = arith.addi %mul3A_346, %add3A_993 : i32
        %get3A_995 = arith.index_cast %add3A_994 : i32 to index
        %get3A_996 = arith.constant 0 : index
        %get3A_997 = tpu.vector_load %arg6[%get3A_995, %get3A_996] {strides = array<i32>} : memref<1600x32xf32, #tpu.memory_space<vmem>>, vector<1x16xf32>,
        %get3A_998 = vector.shape_cast %get3A_997 : vector<1x16xf32> to vector<16xf32>
        %add3A_999 = arith.addf %add3A_985, %get3A_998 : vector<16xf32>
        %add3A_1000 = arith.constant 46 : i32
        %add3A_1001 = arith.addi %mul3A_346, %add3A_1000 : i32
        %get3A_1002 = arith.index_cast %add3A_1001 : i32 to index
        %get3A_1003 = arith.constant 16 : index
        %get3A_1004 = tpu.vector_load %arg6[%get3A_1002, %get3A_1003] {strides = array<i32>} : memref<1600x32xf32, #tpu.memory_space<vmem>>, vector<1x16xf32>,
        %get3A_1005 = vector.shape_cast %get3A_1004 : vector<1x16xf32> to vector<16xf32>
        %add3A_1006 = arith.addf %add3A_992, %get3A_1005 : vector<16xf32>
        %add3A_1007 = arith.constant 47 : i32
        %add3A_1008 = arith.addi %mul3A_346, %add3A_1007 : i32
        %get3A_1009 = arith.index_cast %add3A_1008 : i32 to index
        %get3A_1010 = arith.constant 0 : index
        %get3A_1011 = tpu.vector_load %arg6[%get3A_1009, %get3A_1010] {strides = array<i32>} : memref<1600x32xf32, #tpu.memory_space<vmem>>, vector<1x16xf32>,
        %get3A_1012 = vector.shape_cast %get3A_1011 : vector<1x16xf32> to vector<16xf32>
        %add3A_1013 = arith.addf %add3A_999, %get3A_1012 : vector<16xf32>
        %add3A_1014 = arith.constant 47 : i32
        %add3A_1015 = arith.addi %mul3A_346, %add3A_1014 : i32
        %get3A_1016 = arith.index_cast %add3A_1015 : i32 to index
        %get3A_1017 = arith.constant 16 : index
        %get3A_1018 = tpu.vector_load %arg6[%get3A_1016, %get3A_1017] {strides = array<i32>} : memref<1600x32xf32, #tpu.memory_space<vmem>>, vector<1x16xf32>,
        %get3A_1019 = vector.shape_cast %get3A_1018 : vector<1x16xf32> to vector<16xf32>
        %add3A_1020 = arith.addf %add3A_1006, %get3A_1019 : vector<16xf32>
        %add3A_1021 = arith.constant 48 : i32
        %add3A_1022 = arith.addi %mul3A_346, %add3A_1021 : i32
        %get3A_1023 = arith.index_cast %add3A_1022 : i32 to index
        %get3A_1024 = arith.constant 0 : index
        %get3A_1025 = tpu.vector_load %arg6[%get3A_1023, %get3A_1024] {strides = array<i32>} : memref<1600x32xf32, #tpu.memory_space<vmem>>, vector<1x16xf32>,
        %get3A_1026 = vector.shape_cast %get3A_1025 : vector<1x16xf32> to vector<16xf32>
        %add3A_1027 = arith.addf %add3A_1013, %get3A_1026 : vector<16xf32>
        %add3A_1028 = arith.constant 48 : i32
        %add3A_1029 = arith.addi %mul3A_346, %add3A_1028 : i32
        %get3A_1030 = arith.index_cast %add3A_1029 : i32 to index
        %get3A_1031 = arith.constant 16 : index
        %get3A_1032 = tpu.vector_load %arg6[%get3A_1030, %get3A_1031] {strides = array<i32>} : memref<1600x32xf32, #tpu.memory_space<vmem>>, vector<1x16xf32>,
        %get3A_1033 = vector.shape_cast %get3A_1032 : vector<1x16xf32> to vector<16xf32>
        %add3A_1034 = arith.addf %add3A_1020, %get3A_1033 : vector<16xf32>
        %add3A_1035 = arith.constant 49 : i32
        %add3A_1036 = arith.addi %mul3A_346, %add3A_1035 : i32
        %get3A_1037 = arith.index_cast %add3A_1036 : i32 to index
        %get3A_1038 = arith.constant 0 : index
        %get3A_1039 = tpu.vector_load %arg6[%get3A_1037, %get3A_1038] {strides = array<i32>} : memref<1600x32xf32, #tpu.memory_space<vmem>>, vector<1x16xf32>,
        %get3A_1040 = vector.shape_cast %get3A_1039 : vector<1x16xf32> to vector<16xf32>
        %add3A_1041 = arith.addf %add3A_1027, %get3A_1040 : vector<16xf32>
        %add3A_1042 = arith.constant 49 : i32
        %add3A_1043 = arith.addi %mul3A_346, %add3A_1042 : i32
        %get3A_1044 = arith.index_cast %add3A_1043 : i32 to index
        %get3A_1045 = arith.constant 16 : index
        %get3A_1046 = tpu.vector_load %arg6[%get3A_1044, %get3A_1045] {strides = array<i32>} : memref<1600x32xf32, #tpu.memory_space<vmem>>, vector<1x16xf32>,
        %get3A_1047 = vector.shape_cast %get3A_1046 : vector<1x16xf32> to vector<16xf32>
        %add3A_1048 = arith.addf %add3A_1034, %get3A_1047 : vector<16xf32>
        %mul3A_1049 = arith.constant 2.000000e-02 : f32
        %mul3A_1050 = vector.broadcast %mul3A_1049 : f32 to vector<16xf32>
        %mul3A_1051 = arith.mulf %add3A_1041, %mul3A_1050 : vector<16xf32>
        %swap3A = arith.index_cast %scan3A_344 : i32 to index
        %swap3A_1052 = arith.constant 0 : index
        %swap3A_1053 = tpu.vector_load %arg7[%swap3A, %swap3A_1052] {strides = array<i32>} : memref<32x128xf32, #tpu.memory_space<vmem>>, vector<1x16xf32>,
        %swap3A_1054 = vector.shape_cast %swap3A_1053 : vector<1x16xf32> to vector<16xf32>
        %swap3A_1055 = vector.shape_cast %mul3A_1051 : vector<16xf32> to vector<1x16xf32>
        tpu.vector_store %arg7[%swap3A, %swap3A_1052], %swap3A_1055 {strides = array<i32>} : memref<32x128xf32, #tpu.memory_space<vmem>>, vector<1x16xf32>,
        %mul3A_1056 = arith.constant 2.000000e-02 : f32
        %mul3A_1057 = vector.broadcast %mul3A_1056 : f32 to vector<16xf32>
        %mul3A_1058 = arith.mulf %add3A_1048, %mul3A_1057 : vector<16xf32>
        %swap3A_1059 = arith.index_cast %scan3A_344 : i32 to index
        %swap3A_1060 = arith.constant 16 : index
        %swap3A_1061 = tpu.vector_load %arg7[%swap3A_1059, %swap3A_1060] {strides = array<i32>} : memref<32x128xf32, #tpu.memory_space<vmem>>, vector<1x16xf32>,
        %swap3A_1062 = vector.shape_cast %swap3A_1061 : vector<1x16xf32> to vector<16xf32>
        %swap3A_1063 = vector.shape_cast %mul3A_1058 : vector<16xf32> to vector<1x16xf32>
        tpu.vector_store %arg7[%swap3A_1059, %swap3A_1060], %swap3A_1063 {strides = array<i32>} : memref<32x128xf32, #tpu.memory_space<vmem>>, vector<1x16xf32>,
      }
      %scan3A_343 = arith.constant 32 : i32
      "tpu.region"() ({
        %run_scoped3A = tpu.sem_alloc : memref<!tpu.dma_semaphore, #tpu.memory_space<semaphore_mem>>
        %dma_start3A_344 = arith.constant 0 : i32
        %dma_start3A_345 = tpu.memref_slice %arg4[%add3A_17, %dma_start3A_344] : memref<16384x128xf32, #tpu.memory_space<hbm>> -> memref<32x128xf32, #tpu.memory_space<hbm>>
        %dma_start3A_346 = arith.constant 0 : i32
        %dma_start3A_347 = tpu.memref_slice %arg4[%add3A_17, %dma_start3A_346] : memref<16384x128xf32, #tpu.memory_space<hbm>> -> memref<32x128xf32, #tpu.memory_space<hbm>>
        tpu.enqueue_dma source(%arg7 : memref<32x128xf32, #tpu.memory_space<vmem>>) target(%dma_start3A_347 : memref<32x128xf32, #tpu.memory_space<hbm>>) target_semaphore(%run_scoped3A : memref<!tpu.dma_semaphore, #tpu.memory_space<semaphore_mem>>)
        %dma_wait3A_348 = arith.constant 0 : i32
        %dma_wait3A_349 = tpu.memref_slice %arg4[%add3A_17, %dma_wait3A_348] : memref<16384x128xf32, #tpu.memory_space<hbm>> -> memref<32x128xf32, #tpu.memory_space<hbm>>
        %dma_wait3A_350 = arith.constant 0 : i32
        %dma_wait3A_351 = tpu.memref_slice %arg4[%add3A_17, %dma_wait3A_350] : memref<16384x128xf32, #tpu.memory_space<hbm>> -> memref<32x128xf32, #tpu.memory_space<hbm>>
        tpu.wait_dma2 semaphore(%run_scoped3A : memref<!tpu.dma_semaphore, #tpu.memory_space<semaphore_mem>>) src(%arg7 : memref<32x128xf32, #tpu.memory_space<vmem>>) dst(%dma_wait3A_351 : memref<32x128xf32, #tpu.memory_space<hbm>>)
        tpu.yield
      }) : () -> ()
    }
    %scan3A_13 = arith.constant 16 : i32
    return
  }
}

module attributes {stable_mosaic.version = 14 : i64} {
  func.func @body(%arg0: i32, %arg1: memref<32x16384xf32, #tpu.memory_space<vmem>>, %arg2: memref<4096x128xf32, #tpu.memory_space<vmem>>) attributes {dimension_semantics = [#tpu.dimension_semantics<parallel>], iteration_bounds = array<i64: 62>, scalar_prefetch = 0 : i64, scratch_operands = 0 : i64, tpu.core_type = #tpu.core_type<tc>, window_params = [{transform_indices = @transform_0, window_bounds = array<i64: 32, 16384>}, {transform_indices = @transform_1, window_bounds = array<i64: 4096, 128>}]} {
    %get3A = arith.constant 0 : index
    %get3A_0 = arith.constant 0 : index
    %get3A_1 = vector.load %arg1[%get3A, %get3A_0] : memref<32x16384xf32, #tpu.memory_space<vmem>>, vector<32x16384xf32>
    %slice3A = vector.extract_strided_slice %get3A_1 {offsets = [0, 0], sizes = [32, 4096], strides = [1, 1]} : vector<32x16384xf32> to vector<32x4096xf32>
    %transpose3A = tpu.transpose %slice3A, [1, 0] : vector<32x4096xf32> -> vector<4096x32xf32>
    %swap3A = arith.constant 0 : index
    %swap3A_2 = arith.constant 0 : index
    %swap3A_3 = vector.load %arg2[%swap3A, %swap3A_2] : memref<4096x128xf32, #tpu.memory_space<vmem>>, vector<4096x32xf32>
    tpu.vector_store %arg2[%swap3A, %swap3A_2], %transpose3A {strides = array<i32>} : memref<4096x128xf32, #tpu.memory_space<vmem>>, vector<4096x32xf32>,
    %slice3A_4 = vector.extract_strided_slice %get3A_1 {offsets = [0, 4096], sizes = [32, 4096], strides = [1, 1]} : vector<32x16384xf32> to vector<32x4096xf32>
    %transpose3A_5 = tpu.transpose %slice3A_4, [1, 0] : vector<32x4096xf32> -> vector<4096x32xf32>
    %swap3A_6 = arith.constant 0 : index
    %swap3A_7 = arith.constant 32 : index
    %swap3A_8 = vector.load %arg2[%swap3A_6, %swap3A_7] : memref<4096x128xf32, #tpu.memory_space<vmem>>, vector<4096x32xf32>
    tpu.vector_store %arg2[%swap3A_6, %swap3A_7], %transpose3A_5 {strides = array<i32>} : memref<4096x128xf32, #tpu.memory_space<vmem>>, vector<4096x32xf32>,
    %slice3A_9 = vector.extract_strided_slice %get3A_1 {offsets = [0, 8192], sizes = [32, 4096], strides = [1, 1]} : vector<32x16384xf32> to vector<32x4096xf32>
    %transpose3A_10 = tpu.transpose %slice3A_9, [1, 0] : vector<32x4096xf32> -> vector<4096x32xf32>
    %swap3A_11 = arith.constant 0 : index
    %swap3A_12 = arith.constant 64 : index
    %swap3A_13 = vector.load %arg2[%swap3A_11, %swap3A_12] : memref<4096x128xf32, #tpu.memory_space<vmem>>, vector<4096x32xf32>
    tpu.vector_store %arg2[%swap3A_11, %swap3A_12], %transpose3A_10 {strides = array<i32>} : memref<4096x128xf32, #tpu.memory_space<vmem>>, vector<4096x32xf32>,
    %slice3A_14 = vector.extract_strided_slice %get3A_1 {offsets = [0, 12288], sizes = [32, 4096], strides = [1, 1]} : vector<32x16384xf32> to vector<32x4096xf32>
    %transpose3A_15 = tpu.transpose %slice3A_14, [1, 0] : vector<32x4096xf32> -> vector<4096x32xf32>
    %swap3A_16 = arith.constant 0 : index
    %swap3A_17 = arith.constant 96 : index
    %swap3A_18 = vector.load %arg2[%swap3A_16, %swap3A_17] : memref<4096x128xf32, #tpu.memory_space<vmem>>, vector<4096x32xf32>
    tpu.vector_store %arg2[%swap3A_16, %swap3A_17], %transpose3A_15 {strides = array<i32>} : memref<4096x128xf32, #tpu.memory_space<vmem>>, vector<4096x32xf32>,
    return
  }
  func.func @transform_0(%arg0: i32) -> (i32, i32) {
    %c0_i32 = arith.constant 0 : i32
    %c0_i32_0 = arith.constant 0 : i32
    return %c0_i32, %arg0 : i32, i32
  }
  func.func @transform_1(%arg0: i32) -> (i32, i32) {
    %c0_i32 = arith.constant 0 : i32
    %c0_i32_0 = arith.constant 0 : i32
    return %arg0, %c0_i32 : i32, i32
  }
}

module attributes {stable_mosaic.version = 14 : i64} {
  func.func @body(%arg0: i32, %arg1: memref<100x128xf32, #tpu.memory_space<vmem>>, %arg2: memref<2048x128xf32, #tpu.memory_space<vmem>>, %arg3: memref<100x1xf32, #tpu.memory_space<vmem>>, %arg4: memref<100x2048xf32, #tpu.memory_space<vmem>>) attributes {dimension_semantics = [#tpu.dimension_semantics<parallel>], iteration_bounds = array<i64: 8>, scalar_prefetch = 0 : i64, scratch_operands = 0 : i64, tpu.core_type = #tpu.core_type<tc>, window_params = [{pipeline_mode = #tpu.pipeline_mode<synchronous>, transform_indices = @transform_0, window_bounds = array<i64: 100, 128>}, {transform_indices = @transform_1, window_bounds = array<i64: 2048, 128>}, {pipeline_mode = #tpu.pipeline_mode<synchronous>, transform_indices = @transform_2, window_bounds = array<i64: 100, 1>}, {transform_indices = @transform_3, window_bounds = array<i64: 100, 2048>}]} {
    %get3A = arith.constant 0 : index
    %get3A_0 = arith.constant 0 : index
    %get3A_1 = vector.load %arg1[%get3A, %get3A_0] : memref<100x128xf32, #tpu.memory_space<vmem>>, vector<100x128xf32>
    %get3A_2 = arith.constant 0 : index
    %get3A_3 = arith.constant 0 : index
    %get3A_4 = vector.load %arg2[%get3A_2, %get3A_3] : memref<2048x128xf32, #tpu.memory_space<vmem>>, vector<2048x128xf32>
    %dot_general3A = arith.constant dense<0.000000e+00> : vector<100x2048xf32>
    %dot_general3A_5 = tpu.matmul %get3A_1, %get3A_4, %dot_general3A {dimension_numbers = #tpu.dot_dimension_numbers<[1], [1], [0], [0], [0, 0, 1, 0], [], []>, transpose_lhs_hint = false} : vector<100x128xf32>, vector<2048x128xf32>, vector<100x2048xf32> -> vector<100x2048xf32>
    %get3A_6 = arith.constant 0 : index
    %get3A_7 = arith.constant 0 : index
    %get3A_8 = vector.load %arg3[%get3A_6, %get3A_7] : memref<100x1xf32, #tpu.memory_space<vmem>>, vector<100x1xf32>
    %add3A = vector.broadcast %get3A_8 : vector<100x1xf32> to vector<100x2048xf32>
    %add3A_9 = arith.addf %dot_general3A_5, %add3A : vector<100x2048xf32>
    %swap3A = arith.constant 0 : index
    %swap3A_10 = arith.constant 0 : index
    %swap3A_11 = vector.load %arg4[%swap3A, %swap3A_10] : memref<100x2048xf32, #tpu.memory_space<vmem>>, vector<100x2048xf32>
    tpu.vector_store %arg4[%swap3A, %swap3A_10], %add3A_9 {strides = array<i32>} : memref<100x2048xf32, #tpu.memory_space<vmem>>, vector<100x2048xf32>,
    return
  }
  func.func @transform_0(%arg0: i32) -> (i32, i32) {
    %c0_i32 = arith.constant 0 : i32
    %c0_i32_0 = arith.constant 0 : i32
    %c0_i32_1 = arith.constant 0 : i32
    return %c0_i32, %c0_i32_0 : i32, i32
  }
  func.func @transform_1(%arg0: i32) -> (i32, i32) {
    %c0_i32 = arith.constant 0 : i32
    %c0_i32_0 = arith.constant 0 : i32
    return %arg0, %c0_i32 : i32, i32
  }
  func.func @transform_2(%arg0: i32) -> (i32, i32) {
    %c0_i32 = arith.constant 0 : i32
    %c0_i32_0 = arith.constant 0 : i32
    %c0_i32_1 = arith.constant 0 : i32
    return %c0_i32, %c0_i32_0 : i32, i32
  }
  func.func @transform_3(%arg0: i32) -> (i32, i32) {
    %c0_i32 = arith.constant 0 : i32
    %c0_i32_0 = arith.constant 0 : i32
    return %c0_i32, %arg0 : i32, i32
  }
}

</mosaic_0001>

<sc_bundles>
// kernel: kernel.5.cloned.1.call-start
scs
__scs_entry_jumppad:
0x0: {  	(pc) =	sbr.rel $0x88, $3  }
0x1: {  	(tag) =	ssettag $0x0;
	lr =	simm.s32 $0x1  }
0x2: {  	[smem:$0x3F9D] =	sst lr;
	_ =	strace $0xD0000000  }
0x3: {  	_ = 	snop  }
0x4: {  	_ = 	snop  }
0x5: {  	_ = 	snop  }
0x6: {  	_ = 	snop  }
0x7: {  	_ = 	snop  }
__scs_overlays_trampoline_lowered:
0x8: {  	[smem:$0x3FAC] =	sst s0  }
0x9: {  	[smem:$0x3FAD] =	sst s1  }
0xa: {  	[smem:$0x3FAE] =	sst s2  }
0xb: {  	[smem:$0x3FAF] =	sst s3  }
0xc: {  	[smem:$0x3FB0] =	sst s4  }
0xd: {  	[smem:$0x3FB1] =	sst s5  }
0xe: {  	[smem:$0x3FB2] =	sst s6  }
0xf: {  	[smem:$0x3FB3] =	sst s7  }
0x10: {  	[smem:$0x3FB4] =	sst s8  }
0x11: {  	[smem:$0x3FB5] =	sst s9;
	s0 =	simm.s32 @!p0 $0x0  }
0x12: {  	s1 =	sld [smem:$0x3F9B];
	s0 =	simm.s32 @p0 $0x1  }
0x13: {  	[smem:$0x3FB6] =	sst s0;
	s0 =	simm.s32 @!p1 $0x0  }
0x14: {  	s2 =	sld [smem:$0x3F9A];
	s0 =	simm.s32 @p1 $0x1  }
0x15: {  	[smem:$0x3FB7] =	sst s0;
	s0 =	simm.s32 @!p2 $0x0  }
0x16: {  	s3 =	sld [smem:$0x3FDB];
	s0 =	simm.s32 @p2 $0x1  }
0x17: {  	s4 =	simm.s32 $0x1BF5;
	[smem:$0x3FB9] =	sst s0  }
0x18: {  	s0 =	sld [smem:$0x3F9C];
	_ =	swait.ge [sflag:s4], $0x0  }
0x19: {  	s7 =	sld [smem:$0x3F9D]  }
0x1a: {  	s8 =	sadd.s32 $0xFFFFE003, lr  }
0x1b: {  	s9 =	sadd.s32 $0xFFFFFEF7, lr;
	s5 =	simm.s32 $0xFFFFFFFF;
	p2 =	slt.u32 s8, $0xFFFFF086  }
0x1c: {  	p1 =	slt.u32 s9, $0xF7A;
	s5 =	simm.s32 @!p2 $0x0  }
0x1d: {  	s5 =	simm.s32 @p1 $0x1;
	p0 =	seq.s32 s7, s2  }
0x1e: {  	s7 =	smul.u32 @!p0 $0xF7A, s2;
	p2 =	seq.s32 @!p0 s5, $0x0  }
0x1f: {  	s9 =	smul.u32 $0xF7A, s1;
	s8 =	simm.s32 @!p0 $0x1BF5;
	p2 =	por !p2, p0  }
0x20: {  	[sflag:s8] =	ssyncset.s32 @!p0 $0xFFFFF086;
	s6 =	sadd.s32 @!p0 s3, s7;
	s7 =	simm.s32 @!p0 $0x108  }
0x21: {  	s3 =	sadd.s32 s3, s9;
	s6 =	sadd.s32 @!p0 $0x88, s6;
	s7 =	simm.s32 @p2 $0x1082  }
0x22: {  	[simem:s7], [sflag:s8] =	dma.local @!p0 [hbm:s6], $0xF7A  }
0x23: {  	s9 =	sor.u32 $0xD0000000, s2;
	s6 =	simm.s32 $0x108;
	_ =	swait.ge @!p0 [sflag:s8], $0x0  }
0x24: {  	s3 =	sadd.s32 $0x88, s3;
	s6 =	simm.s32 @!p1 $0x1082;
	[sflag:s4] =	ssyncset.s32 $0xFFFFF086  }
0x25: {  	[simem:s6], [sflag:s4] =	dma.local [hbm:s3], $0xF7A  }
0x26: {  	[smem:$0x3F9D] =	sst s1;
	(tag) =	ssettag s2;
	_ =	strace s9  }
0x27: {  	s1 =	sld [smem:$0x3FAD]  }
0x28: {  	s2 =	sld [smem:$0x3FAE]  }
0x29: {  	s4 =	sld [smem:$0x3FB0]  }
0x2a: {  	p0 =	seq.s32 s5, $0x0;
	s5 =	sld [smem:$0x3FB1]  }
0x2b: {  	s6 =	sld [smem:$0x3FB2]  }
0x2c: {  	s7 =	sld [smem:$0x3FB3]  }
0x2d: {  	s3 =	simm.s32 $0x108;
	s8 =	sld [smem:$0x3FB4]  }
0x2e: {  	s3 =	simm.s32 @!p0 $0x1082;
	s9 =	sld [smem:$0x3FB5]  }
0x2f: {  	lr =	sadd.s32 s0, s3;
	s0 =	sld [smem:$0x3FAC]  }
0x30: {  	s3 =	sld [smem:$0x3FAF]  }
0x31: {  	[smem:$0x3FB8] =	sst s10  }
0x32: {  	s10 =	sld [smem:$0x3FB6];
	_ =	sdelay $0x3  }
0x33: {  	p0 =	seq.s32 s10, $0x1;
	s10 =	sld [smem:$0x3FB8];
	_ =	sdelay $0x3  }
0x34: {  	[smem:$0x3FB8] =	sst s10  }
0x35: {  	s10 =	sld [smem:$0x3FB7];
	_ =	sdelay $0x3  }
0x36: {  	p1 =	seq.s32 s10, $0x1;
	s10 =	sld [smem:$0x3FB8];
	_ =	sdelay $0x3  }
0x37: {  	[smem:$0x3FB8] =	sst s10  }
0x38: {  	s10 =	sld [smem:$0x3FB9]  }
0x39: {  	_ = 	snop;
	(pc) =	sbr.ind lr, $3  }
0x3a: {  	_ = 	snop  }
0x3b: {  	_ = 	snop  }
0x3c: {  	p2 =	seq.s32 s10, $0x1;
	s10 =	sld [smem:$0x3FB8]  }
0x3d: {  	_ =	shalt  }
0x3e: {  	_ =	shalt  }
0x3f: {  	_ =	shalt  }
0x40: {  	_ =	shalt  }
0x41: {  	_ =	shalt  }
0x42: {  	_ =	shalt  }
0x43: {  	_ =	shalt  }
0x44: {  	_ =	shalt  }
0x45: {  	_ =	shalt  }
0x46: {  	_ =	shalt  }
0x47: {  	_ =	shalt  }
0x48: {  	_ =	shalt  }
0x49: {  	_ =	shalt  }
0x4a: {  	_ =	shalt  }
0x4b: {  	_ =	shalt  }
0x4c: {  	_ =	shalt  }
0x4d: {  	_ =	shalt  }
0x4e: {  	_ =	shalt  }
0x4f: {  	_ =	shalt  }
0x50: {  	_ =	shalt  }
0x51: {  	_ =	shalt  }
0x52: {  	_ =	shalt  }
0x53: {  	_ =	shalt  }
0x54: {  	_ =	shalt  }
0x55: {  	_ =	shalt  }
0x56: {  	_ =	shalt  }
0x57: {  	_ =	shalt  }
0x58: {  	_ =	shalt  }
0x59: {  	_ =	shalt  }
0x5a: {  	_ =	shalt  }
0x5b: {  	_ =	shalt  }
0x5c: {  	_ =	shalt  }
0x5d: {  	_ =	shalt  }
0x5e: {  	_ =	shalt  }
0x5f: {  	_ =	shalt  }
0x60: {  	_ =	shalt  }
0x61: {  	_ =	shalt  }
0x62: {  	_ =	shalt  }
0x63: {  	_ =	shalt  }
0x64: {  	_ =	shalt  }
0x65: {  	_ =	shalt  }
0x66: {  	_ =	shalt  }
0x67: {  	_ =	shalt  }
0x68: {  	_ =	shalt  }
0x69: {  	_ =	shalt  }
0x6a: {  	_ =	shalt  }
0x6b: {  	_ =	shalt  }
0x6c: {  	_ =	shalt  }
0x6d: {  	_ =	shalt  }
0x6e: {  	_ =	shalt  }
0x6f: {  	_ =	shalt  }
0x70: {  	_ =	shalt  }
0x71: {  	_ =	shalt  }
0x72: {  	_ =	shalt  }
0x73: {  	_ =	shalt  }
0x74: {  	_ =	shalt  }
0x75: {  	_ =	shalt  }
0x76: {  	_ =	shalt  }
0x77: {  	_ =	shalt  }
0x78: {  	_ =	shalt  }
0x79: {  	_ =	shalt  }
0x7a: {  	_ =	shalt  }
0x7b: {  	_ =	shalt  }
0x7c: {  	_ =	shalt  }
0x7d: {  	_ =	shalt  }
0x7e: {  	_ =	shalt  }
0x7f: {  	_ =	shalt  }
0x80: {  	_ =	shalt  }
0x81: {  	_ =	shalt  }
0x82: {  	_ =	shalt  }
0x83: {  	_ =	shalt  }
0x84: {  	_ =	shalt  }
0x85: {  	_ =	shalt  }
0x86: {  	_ =	shalt  }
0x87: {  	_ =	shalt  }
.Lfunc_end0:
.L_simem_size_0:
called_computation_lowered:
.L_overlay_start_0:
0x88: {  	s2 =	sld [smem:$0x3FD9]  }
0x89: {  	s3 =	sld [smem:$0x3FFE];
	_ =	sdelay $0x1  }
0x8a: {  	s1 =	srdreg.scid  }
0x8b: {  	s0 =	sand.u32 $0x1, s1  }
0x8c: {  	s17 =	sshll.u32 s0, $0xA;
	s2 =	sadd.s32 s3, s2  }
0x8d: {  	s2 =	sadd.s32 s2, s17  }
0x8e: {  	[smem:$0x3FC4] =	sst s2  }
0x8f: {  	_ = 	snop  }
0x90: {  	s2 =	sld [smem:$0x3FD0];
	(tm) =	ssettm $0x1  }
0x91: {  	s18 =	sld [smem:$0x3FFB];
	_ =	sdelay $0x3  }
0x92: {  	_ =	strace s18  }
0x93: {  	s3 =	sld [smem:$0x3FFC];
	_ =	sdelay $0x3  }
0x94: {  	_ =	strace s3  }
0x95: {  	s3 =	sld [smem:$0x3FFD];
	_ =	sdelay $0x3  }
0x96: {  	_ =	strace s3  }
0x97: {  	_ =	strace $0x8FFFFFFF  }
0x98: {  	s19 =	sld [smem:$0x3FDB];
	_ =	sdelay $0x1  }
0x99: {  	s4 =	simm.s32 $_scs_section_size  }
0x9a: {  	s5 =	simm.s32 $_size__tile_overlayer_lowered;
	s6 =	simm.s32 $_tile_overlayer_lowered  }
0x9b: {  	s22 =	simm.s32 $0x1BFF;
	s21 =	sshll.u32 s6, $0x1;
	s3 =	sadd.s32 s4, s19  }
0x9c: {  	s7 =	simm.s32 $0x0;
	s20 =	sshll.u32 s5, $0x1;
	s5 =	sadd.s32 s21, s3  }
0x9d: {  	[timem:s7], [sflag:s22] =	dma.local [hbm:s5], s20  }
0x9e: {  	_ =	swait.ge [sflag:s22], s20  }
0x9f: {  	s4 =	ssub.s32 $0x0, s20;
	[sflag:s22] =	ssyncset.done $0x0  }
0xa0: {  	[sflag:s22] =	ssyncadd.s32 s4;
	_ =	sdelay $0x1  }
0xa1: {  	s23 =	simm.s32 $0x1B8B  }
0xa2: {  	_ =	swait.ge [sflag:s23], $0x1  }
0xa3: {  	[sflag:s23] =	ssyncset.done $0x0  }
0xa4: {  	s25 =	simm.s32 $0x1B8E;
	s24 =	sld [smem:$0x3FFE];
	[sflag:s23] =	ssyncadd.s32 $0xFFFFFFFF  }
0xa5: {  	s26 =	simm.s32 $execute0_lowered;
	[smem:$0x3FD2] =	sst s25  }
0xa6: {  	s5 =	sshll.u32 s26, $0x1;
	_ =	strace $0x80000046;
	[dreg:$0x1] =	wrdreg $0xFFFFFFFF  }
0xa7: {  	s28 =	simm.s32 $_size_execute0_lowered;
	s3 =	sadd.s32 s3, s5;
	[dreg:$0x0] =	wrdreg $0x0  }
0xa8: {  	s5 =	sshll.u32 s28, $0x1;
	[dreg:$0x2] =	wrdreg s3  }
0xa9: {  	[dreg:$0x3] =	wrdreg s5  }
0xaa: {  	[dreg:$0x4] =	wrdreg $0xC0  }
0xab: {  	_ =	task [dreg:s7], $0x5FFFF  }
0xac: {  	[dreg:$0x1] =	wrdreg $0xFFFFFFFF  }
0xad: {  	[dreg:$0x0] =	wrdreg $0x60  }
0xae: {  	[dreg:$0x2] =	wrdreg s2  }
0xaf: {  	[dreg:$0x3] =	wrdreg s24  }
0xb0: {  	[dreg:$0x4] =	wrdreg $0x9  }
0xb1: {  	_ =	task.clear_ibuf [dreg:s7], $0x5FFFF;
	_ =	strace $0x90000046  }
0xb2: {  	s29 =	simm.s32 $0x9;
	_ =	strace $0x80000048  }
0xb3: {  	_ =	swait.ge [sflag:s29], $0x1  }
0xb4: {  	[sflag:s29] =	ssyncadd.s32 $0xFFFFFFFF  }
0xb5: {  	_ =	strace $0x90000048  }
0xb6: {  	_ =	sfence  }
0xb7: {  	s30 =	sld [smem:$0x0];
	_ =	sdelay $0x2  }
0xb8: {  	s31 =	sshll.u32 s1, $0xD;
	s1 =	sshrl.u32 s1, $0x2  }
0xb9: {  	s3 =	sand.u32 $0x4000, s31;
	s1 =	sadd.s32 s1, s30  }
0xba: {  	s0 =	sor.u32 s3, s0;
	s1 =	sshll.u32 s1, $0x11  }
0xbb: {  	s0 =	sor.u32 s1, s0  }
0xbc: {  	s0 =	sadd.s32 $0x8F2B, s0  }
0xbd: {  	[sflag:s0] =	ssyncadd.remote.s32 $0x1  }
0xbe: {  	_ =	sfence.sel $0xFFFF  }
0xbf: {  	[dreg:$0x0] =	wrdreg $0xFFFFFFFF;
	(pc) =	sbr.abs _section_cstart, $3  }
0xc0: {  	[dreg:$0x1] =	wrdreg $0xFFFFFFFF  }
0xc1: {  	_ =	task.clear_ibuf [dreg:s7], $0x2FFFF;
	_ =	strace $0x9FFFFFFF  }
0xc2: {  	(tm) =	ssettm $0x7FFFFFFF  }
0xc3: {  	_ =	shalt  }
tec
execute0_lowered:
.L_overlay_start_1:
0x0: {  	(tag) =	ssettag $0x1  }
0x1: {  	s0 =	rddreg [dreg:$0x1]  }
0x2: {  	s2 =	simm.s32 $0x0;
	s1 =	srdreg.scid;
	s3 =	stileid.u32  }
0x3: {  	s8 =	simm.s32 $0x2;
	s9 =	simm.s32 $0x50;
	s31 =	simm.s32 $0x370  }
0x4: {  	s7 =	simm.s32 $0x7E40;
	s10 =	simm.s32 $0x460;
	s11 =	simm.s32 $0x9240  }
0x5: {  	s12 =	simm.s32 $0x4B0;
	s13 =	simm.s32 $0x9C40;
	s14 =	simm.s32 $0x500  }
0x6: {  	s15 =	simm.s32 $0xA640;
	s16 =	simm.s32 $0x550;
	s17 =	simm.s32 $0xB040  }
0x7: {  	s18 =	simm.s32 $0x5A0;
	s19 =	simm.s32 $0xBA40;
	s20 =	simm.s32 $0x5F0  }
0x8: {  	s21 =	simm.s32 $0xC440;
	s22 =	simm.s32 $0x1;
	s23 =	simm.s32 $0xCE40  }
0x9: {  	s25 =	simm.s32 $0x0;
	[smem:$0x7FF] =	sst s2;
	s1 =	sand.u32 $0x1, s1  }
0xa: {  	s4 =	sadd.s32 $0xA00, s0;
	s5 =	sadd.s32 $0x3E0A00, s0;
	s28 =	ssub.s32 $0x2, s1  }
0xb: {  	s30 =	sshll.u32 s3, $0xA;
	s3 =	simm.s32 $0x3C0;
	s29 =	sshrl.u32 s28, $0x1  }
0xc: {  	s2 =	simm.s32 $0x8840;
	s1 =	sshll.u32 s1, $0x9;
	s0 =	ssub.s32 s28, s29  }
0xd: {  	_ =	strace $0x80000047;
	s6 =	sor.u32 s1, s30;
	s0 =	smax.u32 s0, $0x1  }
0xe: {  	v0 =	vimm.f32 $0.0e+00;
	s1 =	simm.s32 $0x410;
	[dreg:$0x3] =	wrdreg s0;
	s0 =	simm.s32 $0x7440  }
.LBB2_1:
0xf: {  	[dreg:$0x4] =	wrdreg s25;
	s25 =	simm.s32 $0x0  }
0x10: {  	[tilespmem:s25+$0xCEB0] =	vst v0  }
0x11: {  	[tilespmem:s25+$0xCE60] =	vst v0  }
0x12: {  	[tilespmem:s25+$0xCE70] =	vst v0  }
0x13: {  	[tilespmem:s25+$0xCE80] =	vst v0  }
0x14: {  	s26 =	simm.s32 $0x200;
	[tilespmem:s25+$0xCE90] =	vst v0  }
.LBB2_2:
0x15: {  	p0 =	sne.s32 s26, $0x3E00;
	[tilespmem:s25+$0xCEA0] =	vst v0;
	s25 =	sshra.s32 s26, $0x2;
	s26 =	sadd.s32 $0x200, s26  }
.Ltmp0:
0x16: {  	s24 =	simm.s32 $0x0;
	[tilespmem:s25+$0xCEB0] =	vst v0;
	(pc) =	sbr.rel @p0 .LBB2_2-.Ltmp0, $4  }
0x17: {  	[tilespmem:s25+$0xCE60] =	vst v0  }
0x18: {  	[tilespmem:s25+$0xCE70] =	vst v0  }
0x19: {  	[tilespmem:s25+$0xCE80] =	vst v0  }
0x1a: {  	[tilespmem:s25+$0xCE90] =	vst v0  }
0x1b: {  	[tilespmem:s25+$0xCEA0] =	vst v0;
	s25 =	simm.s32 $0x0  }
.LBB2_4:
0x1c: {  	s26 =	sshll.u32 s25, $0x5  }
0x1d: {  	s26 =	sadd.s32 s6, s26  }
0x1e: {  	s28 =	smul.u32 $0x32, s26;
	_ =	sdelay $0x1  }
0x1f: {  	s29 =	rddreg [dreg:$0x0];
	s28 =	sshrl.u32 s28, $0x3  }
0x20: {  	s28 =	sadd.s32 s29, s28  }
0x21: {  	[tilespmem:s24], [sflag:$0x2] =	stream.linear.gather [hbm4b:s28+s24], $0x640, $0x38;
	[tilespmem:$0xDE40] =	vst v63  }
0x22: {  	_ =	swait.ge [sflag:s8], $0x640  }
0x23: {  	[sflag:s8] =	ssyncset.done $0x0  }
0x24: {  	s28 =	simm.s32 $0x640;
	[sflag:s8] =	ssyncadd.s32 $0xFFFFF9C0  }
0x25: {  	[tilespmem:s28], [sflag:$0x1] =	stream.indirect.gather [hbm4b:s4+s9], $0x20, s24, s9, $0xb8;
	[tilespmem:$0xDE40] =	vst v63  }
0x26: {  	s28 =	simm.s32 $0x1040  }
0x27: {  	[tilespmem:s28], [sflag:$0x1] =	stream.indirect.gather [hbm4b:s4+s9], $0x20, s9, s9, $0xb8;
	[tilespmem:$0xDE40] =	vst v63  }
0x28: {  	s29 =	simm.s32 $0x1A40;
	s28 =	simm.s32 $0xA0  }
0x29: {  	[tilespmem:s29], [sflag:$0x1] =	stream.indirect.gather [hbm4b:s4+s9], $0x20, s28, s9, $0xb8;
	[tilespmem:$0xDE40] =	vst v63  }
0x2a: {  	s28 =	simm.s32 $0xF0;
	s29 =	simm.s32 $0x2440  }
0x2b: {  	[tilespmem:s29], [sflag:$0x1] =	stream.indirect.gather [hbm4b:s4+s9], $0x20, s28, s9, $0xb8;
	[tilespmem:$0xDE40] =	vst v63  }
0x2c: {  	s28 =	simm.s32 $0x140;
	s29 =	simm.s32 $0x2E40  }
0x2d: {  	[tilespmem:s29], [sflag:$0x1] =	stream.indirect.gather [hbm4b:s4+s9], $0x20, s28, s9, $0xb8;
	[tilespmem:$0xDE40] =	vst v63  }
0x2e: {  	s28 =	simm.s32 $0x190;
	s29 =	simm.s32 $0x3840  }
0x2f: {  	[tilespmem:s29], [sflag:$0x1] =	stream.indirect.gather [hbm4b:s4+s9], $0x20, s28, s9, $0xb8;
	[tilespmem:$0xDE40] =	vst v63  }
0x30: {  	s28 =	simm.s32 $0x1E0;
	s29 =	simm.s32 $0x4240  }
0x31: {  	[tilespmem:s29], [sflag:$0x1] =	stream.indirect.gather [hbm4b:s4+s9], $0x20, s28, s9, $0xb8;
	[tilespmem:$0xDE40] =	vst v63  }
0x32: {  	s28 =	simm.s32 $0x230;
	s29 =	simm.s32 $0x4C40  }
0x33: {  	[tilespmem:s29], [sflag:$0x1] =	stream.indirect.gather [hbm4b:s4+s9], $0x20, s28, s9, $0xb8;
	[tilespmem:$0xDE40] =	vst v63  }
0x34: {  	s28 =	simm.s32 $0x280;
	s29 =	simm.s32 $0x5640  }
0x35: {  	[tilespmem:s29], [sflag:$0x1] =	stream.indirect.gather [hbm4b:s4+s9], $0x20, s28, s9, $0xb8;
	[tilespmem:$0xDE40] =	vst v63  }
0x36: {  	s28 =	simm.s32 $0x2D0;
	s29 =	simm.s32 $0x6040  }
0x37: {  	[tilespmem:s29], [sflag:$0x1] =	stream.indirect.gather [hbm4b:s4+s9], $0x20, s28, s9, $0xb8;
	[tilespmem:$0xDE40] =	vst v63  }
0x38: {  	s28 =	simm.s32 $0x320;
	s29 =	simm.s32 $0x6A40  }
0x39: {  	[tilespmem:s29], [sflag:$0x1] =	stream.indirect.gather [hbm4b:s4+s9], $0x20, s28, s9, $0xb8;
	[tilespmem:$0xDE40] =	vst v63  }
0x3a: {  	_ = 	snop  }
0x3b: {  	[tilespmem:s0], [sflag:$0x1] =	stream.indirect.gather [hbm4b:s4+s9], $0x20, s31, s9, $0xb8;
	[tilespmem:$0xDE40] =	vst v63  }
0x3c: {  	_ = 	snop  }
0x3d: {  	[tilespmem:s7], [sflag:$0x1] =	stream.indirect.gather [hbm4b:s4+s9], $0x20, s3, s9, $0xb8;
	[tilespmem:$0xDE40] =	vst v63  }
0x3e: {  	_ = 	snop  }
0x3f: {  	[tilespmem:s2], [sflag:$0x1] =	stream.indirect.gather [hbm4b:s4+s9], $0x20, s1, s9, $0xb8;
	[tilespmem:$0xDE40] =	vst v63  }
0x40: {  	_ = 	snop  }
0x41: {  	[tilespmem:s11], [sflag:$0x1] =	stream.indirect.gather [hbm4b:s4+s9], $0x20, s10, s9, $0xb8;
	[tilespmem:$0xDE40] =	vst v63  }
0x42: {  	_ = 	snop  }
0x43: {  	[tilespmem:s13], [sflag:$0x1] =	stream.indirect.gather [hbm4b:s4+s9], $0x20, s12, s9, $0xb8;
	[tilespmem:$0xDE40] =	vst v63  }
0x44: {  	_ = 	snop  }
0x45: {  	[tilespmem:s15], [sflag:$0x1] =	stream.indirect.gather [hbm4b:s4+s9], $0x20, s14, s9, $0xb8;
	[tilespmem:$0xDE40] =	vst v63  }
0x46: {  	_ = 	snop  }
0x47: {  	[tilespmem:s17], [sflag:$0x1] =	stream.indirect.gather [hbm4b:s4+s9], $0x20, s16, s9, $0xb8;
	[tilespmem:$0xDE40] =	vst v63  }
0x48: {  	_ = 	snop  }
0x49: {  	[tilespmem:s19], [sflag:$0x1] =	stream.indirect.gather [hbm4b:s4+s9], $0x20, s18, s9, $0xb8;
	[tilespmem:$0xDE40] =	vst v63  }
0x4a: {  	_ = 	snop  }
0x4b: {  	[tilespmem:s21], [sflag:$0x1] =	stream.indirect.gather [hbm4b:s4+s9], $0x20, s20, s9, $0xb8;
	[tilespmem:$0xDE40] =	vst v63  }
0x4c: {  	_ =	swait.ge [sflag:s22], $0xA00  }
0x4d: {  	[sflag:s22] =	ssyncset.done $0x0  }
0x4e: {  	[sflag:s22] =	ssyncadd.s32 $0xFFFFF600  }
0x4f: {  	_ =	swait.ge [sflag:s22], $0xA00  }
0x50: {  	[sflag:s22] =	ssyncset.done $0x0  }
0x51: {  	[sflag:s22] =	ssyncadd.s32 $0xFFFFF600  }
0x52: {  	_ =	swait.ge [sflag:s22], $0xA00  }
0x53: {  	[sflag:s22] =	ssyncset.done $0x0  }
0x54: {  	[sflag:s22] =	ssyncadd.s32 $0xFFFFF600  }
0x55: {  	_ =	swait.ge [sflag:s22], $0xA00  }
0x56: {  	[sflag:s22] =	ssyncset.done $0x0  }
0x57: {  	[sflag:s22] =	ssyncadd.s32 $0xFFFFF600  }
0x58: {  	_ =	swait.ge [sflag:s22], $0xA00  }
0x59: {  	[sflag:s22] =	ssyncset.done $0x0  }
0x5a: {  	[sflag:s22] =	ssyncadd.s32 $0xFFFFF600  }
0x5b: {  	_ =	swait.ge [sflag:s22], $0xA00  }
0x5c: {  	[sflag:s22] =	ssyncset.done $0x0  }
0x5d: {  	[sflag:s22] =	ssyncadd.s32 $0xFFFFF600  }
0x5e: {  	_ =	swait.ge [sflag:s22], $0xA00  }
0x5f: {  	[sflag:s22] =	ssyncset.done $0x0  }
0x60: {  	[sflag:s22] =	ssyncadd.s32 $0xFFFFF600  }
0x61: {  	_ =	swait.ge [sflag:s22], $0xA00  }
0x62: {  	[sflag:s22] =	ssyncset.done $0x0  }
0x63: {  	[sflag:s22] =	ssyncadd.s32 $0xFFFFF600  }
0x64: {  	_ =	swait.ge [sflag:s22], $0xA00  }
0x65: {  	[sflag:s22] =	ssyncset.done $0x0  }
0x66: {  	[sflag:s22] =	ssyncadd.s32 $0xFFFFF600  }
0x67: {  	_ =	swait.ge [sflag:s22], $0xA00  }
0x68: {  	[sflag:s22] =	ssyncset.done $0x0  }
0x69: {  	[sflag:s22] =	ssyncadd.s32 $0xFFFFF600  }
0x6a: {  	_ =	swait.ge [sflag:s22], $0xA00  }
0x6b: {  	[sflag:s22] =	ssyncset.done $0x0  }
0x6c: {  	[sflag:s22] =	ssyncadd.s32 $0xFFFFF600  }
0x6d: {  	_ =	swait.ge [sflag:s22], $0xA00  }
0x6e: {  	[sflag:s22] =	ssyncset.done $0x0  }
0x6f: {  	[sflag:s22] =	ssyncadd.s32 $0xFFFFF600  }
0x70: {  	_ =	swait.ge [sflag:s22], $0xA00  }
0x71: {  	[sflag:s22] =	ssyncset.done $0x0  }
0x72: {  	[sflag:s22] =	ssyncadd.s32 $0xFFFFF600  }
0x73: {  	_ =	swait.ge [sflag:s22], $0xA00  }
0x74: {  	[sflag:s22] =	ssyncset.done $0x0  }
0x75: {  	[sflag:s22] =	ssyncadd.s32 $0xFFFFF600  }
0x76: {  	_ =	swait.ge [sflag:s22], $0xA00  }
0x77: {  	[sflag:s22] =	ssyncset.done $0x0  }
0x78: {  	[sflag:s22] =	ssyncadd.s32 $0xFFFFF600  }
0x79: {  	_ =	swait.ge [sflag:s22], $0xA00  }
0x7a: {  	[sflag:s22] =	ssyncset.done $0x0  }
0x7b: {  	[sflag:s22] =	ssyncadd.s32 $0xFFFFF600  }
0x7c: {  	_ =	swait.ge [sflag:s22], $0xA00  }
0x7d: {  	[sflag:s22] =	ssyncset.done $0x0  }
0x7e: {  	[sflag:s22] =	ssyncadd.s32 $0xFFFFF600  }
0x7f: {  	_ =	swait.ge [sflag:s22], $0xA00  }
0x80: {  	[sflag:s22] =	ssyncset.done $0x0  }
0x81: {  	[sflag:s22] =	ssyncadd.s32 $0xFFFFF600  }
0x82: {  	_ =	swait.ge [sflag:s22], $0xA00  }
0x83: {  	[sflag:s22] =	ssyncset.done $0x0  }
0x84: {  	[sflag:s22] =	ssyncadd.s32 $0xFFFFF600  }
0x85: {  	_ =	swait.ge [sflag:s22], $0xA00  }
0x86: {  	[sflag:s22] =	ssyncset.done $0x0  }
0x87: {  	s28 =	simm.s32 $0x960;
	[sflag:s22] =	ssyncadd.s32 $0xFFFFF600  }
0x88: {  	v1 =	vld [tilespmem:s28+$0xFFFFFCE0]  }
0x89: {  	v2 =	vld [tilespmem:s28+$0xFFFFFCF0]  }
0x8a: {  	v3 =	vld [tilespmem:s28+$0xFFFFFD00]  }
0x8b: {  	v4 =	vld [tilespmem:s28+$0xFFFFFD10]  }
0x8c: {  	v5 =	vld [tilespmem:s28+$0xFFFFFD20]  }
0x8d: {  	v6 =	vld [tilespmem:s28+$0xFFFFFD30];
	v1 =	vadd.f32 $0.0e+00, v1  }
0x8e: {  	v7 =	vld [tilespmem:s28+$0xFFFFFD40]  }
0x8f: {  	v8 =	vld [tilespmem:s28+$0xFFFFFD60];
	v2 =	vadd.f32 $0.0e+00, v2;
	v1 =	vadd.f32 v3, v1  }
0x90: {  	v3 =	vld [tilespmem:s28+$0xFFFFFD50]  }
0x91: {  	v40 =	vld [tilespmem:s28+$0xFFFFFD70];
	v2 =	vadd.f32 v4, v2;
	v1 =	vadd.f32 v5, v1  }
0x92: {  	v41 =	vld [tilespmem:s28+$0xFFFFFD80]  }
0x93: {  	v42 =	vld [tilespmem:s28+$0xFFFFFD90];
	v2 =	vadd.f32 v6, v2;
	v1 =	vadd.f32 v7, v1  }
0x94: {  	v43 =	vld [tilespmem:s28+$0xFFFFFDA0]  }
0x95: {  	v44 =	vld [tilespmem:s28+$0xFFFFFDC0];
	v2 =	vadd.f32 v3, v2;
	v1 =	vadd.f32 v8, v1  }
0x96: {  	v3 =	vld [tilespmem:s28+$0xFFFFFDB0]  }
0x97: {  	v45 =	vld [tilespmem:s28+$0xFFFFFDD0];
	v2 =	vadd.f32 v40, v2;
	v1 =	vadd.f32 v41, v1  }
0x98: {  	v46 =	vld [tilespmem:s28+$0xFFFFFDE0]  }
0x99: {  	v47 =	vld [tilespmem:s28+$0xFFFFFDF0];
	v2 =	vadd.f32 v42, v2;
	v1 =	vadd.f32 v43, v1  }
0x9a: {  	v48 =	vld [tilespmem:s28+$0xFFFFFE00]  }
0x9b: {  	v49 =	vld [tilespmem:s28+$0xFFFFFE20];
	v2 =	vadd.f32 v3, v2;
	v1 =	vadd.f32 v44, v1  }
0x9c: {  	v3 =	vld [tilespmem:s28+$0xFFFFFE10]  }
0x9d: {  	v50 =	vld [tilespmem:s28+$0xFFFFFE30];
	v2 =	vadd.f32 v45, v2;
	v1 =	vadd.f32 v46, v1  }
0x9e: {  	v51 =	vld [tilespmem:s28+$0xFFFFFE40]  }
0x9f: {  	v52 =	vld [tilespmem:s28+$0xFFFFFE50];
	v2 =	vadd.f32 v47, v2;
	v1 =	vadd.f32 v48, v1  }
0xa0: {  	v53 =	vld [tilespmem:s28+$0xFFFFFE60]  }
0xa1: {  	v54 =	vld [tilespmem:s28+$0xFFFFFE80];
	v2 =	vadd.f32 v3, v2;
	v1 =	vadd.f32 v49, v1  }
0xa2: {  	v3 =	vld [tilespmem:s28+$0xFFFFFE70]  }
0xa3: {  	v55 =	vld [tilespmem:s28+$0xFFFFFE90];
	v2 =	vadd.f32 v50, v2;
	v1 =	vadd.f32 v51, v1  }
0xa4: {  	v56 =	vld [tilespmem:s28+$0xFFFFFEA0]  }
0xa5: {  	v57 =	vld [tilespmem:s28+$0xFFFFFEB0];
	v2 =	vadd.f32 v52, v2;
	v1 =	vadd.f32 v53, v1  }
0xa6: {  	v58 =	vld [tilespmem:s28+$0xFFFFFEC0]  }
0xa7: {  	v59 =	vld [tilespmem:s28+$0xFFFFFEE0];
	v2 =	vadd.f32 v3, v2;
	v1 =	vadd.f32 v54, v1  }
0xa8: {  	v3 =	vld [tilespmem:s28+$0xFFFFFED0]  }
0xa9: {  	v60 =	vld [tilespmem:s28+$0xFFFFFEF0];
	v2 =	vadd.f32 v55, v2;
	v1 =	vadd.f32 v56, v1  }
0xaa: {  	v61 =	vld [tilespmem:s28+$0xFFFFFF00]  }
0xab: {  	v62 =	vld [tilespmem:s28+$0xFFFFFF10];
	v2 =	vadd.f32 v57, v2;
	v1 =	vadd.f32 v58, v1  }
0xac: {  	v63 =	vld [tilespmem:s28+$0xFFFFFF20]  }
0xad: {  	v12 =	vld [tilespmem:s28+$0xFFFFFF40];
	v2 =	vadd.f32 v3, v2;
	v1 =	vadd.f32 v59, v1  }
0xae: {  	v3 =	vld [tilespmem:s28+$0xFFFFFF30]  }
0xaf: {  	v13 =	vld [tilespmem:s28+$0xFFFFFF50];
	v2 =	vadd.f32 v60, v2;
	v1 =	vadd.f32 v61, v1  }
0xb0: {  	v14 =	vld [tilespmem:s28+$0xFFFFFF60]  }
0xb1: {  	v15 =	vld [tilespmem:s28+$0xFFFFFF70];
	v2 =	vadd.f32 v62, v2;
	v1 =	vadd.f32 v63, v1  }
0xb2: {  	v16 =	vld [tilespmem:s28+$0xFFFFFF80]  }
0xb3: {  	v17 =	vld [tilespmem:s28+$0xFFFFFFA0];
	v2 =	vadd.f32 v3, v2;
	v1 =	vadd.f32 v12, v1  }
0xb4: {  	v3 =	vld [tilespmem:s28+$0xFFFFFF90]  }
0xb5: {  	v18 =	vld [tilespmem:s28+$0xFFFFFFB0];
	v2 =	vadd.f32 v13, v2;
	v1 =	vadd.f32 v14, v1  }
0xb6: {  	v19 =	vld [tilespmem:s28+$0xFFFFFFC0]  }
0xb7: {  	v20 =	vld [tilespmem:s28+$0xFFFFFFD0];
	v2 =	vadd.f32 v15, v2;
	v1 =	vadd.f32 v16, v1  }
0xb8: {  	v21 =	vld [tilespmem:s28+$0xFFFFFFE0]  }
0xb9: {  	v22 =	vld [tilespmem:s28+$0x0];
	v2 =	vadd.f32 v3, v2;
	v1 =	vadd.f32 v17, v1  }
0xba: {  	v3 =	vld [tilespmem:s28+$0xFFFFFFF0]  }
0xbb: {  	v23 =	vld [tilespmem:s28+$0x10];
	v2 =	vadd.f32 v18, v2;
	v1 =	vadd.f32 v19, v1  }
0xbc: {  	v24 =	vld [tilespmem:s28+$0x20]  }
0xbd: {  	v25 =	vld [tilespmem:s28+$0x30];
	v2 =	vadd.f32 v20, v2;
	v1 =	vadd.f32 v21, v1  }
0xbe: {  	v26 =	vld [tilespmem:s28+$0x40]  }
0xbf: {  	v27 =	vld [tilespmem:s28+$0x60];
	v2 =	vadd.f32 v3, v2;
	v1 =	vadd.f32 v22, v1  }
0xc0: {  	v3 =	vld [tilespmem:s28+$0x50]  }
0xc1: {  	v28 =	vld [tilespmem:s28+$0x70];
	v2 =	vadd.f32 v23, v2;
	v1 =	vadd.f32 v24, v1  }
0xc2: {  	v29 =	vld [tilespmem:s28+$0x80]  }
0xc3: {  	v30 =	vld [tilespmem:s28+$0x90];
	v2 =	vadd.f32 v25, v2;
	v1 =	vadd.f32 v26, v1  }
0xc4: {  	v31 =	vld [tilespmem:s28+$0xA0]  }
0xc5: {  	v32 =	vld [tilespmem:s28+$0xC0];
	v2 =	vadd.f32 v3, v2;
	v1 =	vadd.f32 v27, v1  }
0xc6: {  	v3 =	vld [tilespmem:s28+$0xB0]  }
0xc7: {  	v33 =	vld [tilespmem:s28+$0xD0];
	v2 =	vadd.f32 v28, v2;
	v1 =	vadd.f32 v29, v1  }
0xc8: {  	v34 =	vld [tilespmem:s28+$0xE0]  }
0xc9: {  	v35 =	vld [tilespmem:s28+$0xF0];
	v2 =	vadd.f32 v30, v2;
	v1 =	vadd.f32 v31, v1  }
0xca: {  	v36 =	vld [tilespmem:s28+$0x100]  }
0xcb: {  	v37 =	vld [tilespmem:s28+$0x120];
	v2 =	vadd.f32 v3, v2;
	v1 =	vadd.f32 v32, v1  }
0xcc: {  	v3 =	vld [tilespmem:s28+$0x110]  }
0xcd: {  	v38 =	vld [tilespmem:s28+$0x130];
	v2 =	vadd.f32 v33, v2;
	v1 =	vadd.f32 v34, v1  }
0xce: {  	v39 =	vld [tilespmem:s28+$0x140]  }
0xcf: {  	v40 =	vld [tilespmem:s28+$0x150];
	v2 =	vadd.f32 v35, v2;
	v1 =	vadd.f32 v36, v1  }
0xd0: {  	v41 =	vld [tilespmem:s28+$0x160]  }
0xd1: {  	v42 =	vld [tilespmem:s28+$0x180];
	v2 =	vadd.f32 v3, v2;
	v1 =	vadd.f32 v37, v1  }
0xd2: {  	v3 =	vld [tilespmem:s28+$0x170]  }
0xd3: {  	v43 =	vld [tilespmem:s28+$0x190];
	v2 =	vadd.f32 v38, v2;
	v1 =	vadd.f32 v39, v1  }
0xd4: {  	v44 =	vld [tilespmem:s28+$0x1A0]  }
0xd5: {  	v45 =	vld [tilespmem:s28+$0x1B0];
	v2 =	vadd.f32 v40, v2;
	v1 =	vadd.f32 v41, v1  }
0xd6: {  	v46 =	vld [tilespmem:s28+$0x1C0]  }
0xd7: {  	v47 =	vld [tilespmem:s28+$0x1E0];
	v2 =	vadd.f32 v3, v2;
	v1 =	vadd.f32 v42, v1  }
0xd8: {  	v3 =	vld [tilespmem:s28+$0x1D0]  }
0xd9: {  	v48 =	vld [tilespmem:s28+$0x1F0];
	v2 =	vadd.f32 v43, v2;
	v1 =	vadd.f32 v44, v1  }
0xda: {  	v49 =	vld [tilespmem:s28+$0x200]  }
0xdb: {  	v50 =	vld [tilespmem:s28+$0x210];
	v2 =	vadd.f32 v45, v2;
	v1 =	vadd.f32 v46, v1  }
0xdc: {  	v51 =	vld [tilespmem:s28+$0x220]  }
0xdd: {  	v52 =	vld [tilespmem:s28+$0x240];
	v2 =	vadd.f32 v3, v2;
	v1 =	vadd.f32 v47, v1  }
0xde: {  	v3 =	vld [tilespmem:s28+$0x230]  }
0xdf: {  	v53 =	vld [tilespmem:s28+$0x250];
	v2 =	vadd.f32 v48, v2;
	v1 =	vadd.f32 v49, v1  }
0xe0: {  	v54 =	vld [tilespmem:s28+$0x260]  }
0xe1: {  	v55 =	vld [tilespmem:s28+$0x270];
	v2 =	vadd.f32 v50, v2;
	v1 =	vadd.f32 v51, v1  }
0xe2: {  	v56 =	vld [tilespmem:s28+$0x280]  }
0xe3: {  	v57 =	vld [tilespmem:s28+$0x2A0];
	v2 =	vadd.f32 v3, v2;
	v1 =	vadd.f32 v52, v1  }
0xe4: {  	v3 =	vld [tilespmem:s28+$0x290]  }
0xe5: {  	v58 =	vld [tilespmem:s28+$0x2B0];
	v2 =	vadd.f32 v53, v2;
	v1 =	vadd.f32 v54, v1  }
0xe6: {  	v59 =	vld [tilespmem:s28+$0x2C0]  }
0xe7: {  	v60 =	vld [tilespmem:s28+$0x2D0];
	v2 =	vadd.f32 v55, v2;
	v1 =	vadd.f32 v56, v1  }
0xe8: {  	v61 =	vld [tilespmem:s28+$0x2E0]  }
0xe9: {  	v62 =	vld [tilespmem:s28+$0x300];
	v2 =	vadd.f32 v3, v2;
	v1 =	vadd.f32 v57, v1  }
0xea: {  	v3 =	vld [tilespmem:s28+$0x2F0]  }
0xeb: {  	v2 =	vadd.f32 v58, v2;
	v1 =	vadd.f32 v59, v1  }
0xec: {  	v63 =	vld [tilespmem:s28+$0x310]  }
0xed: {  	v2 =	vadd.f32 v60, v2;
	v1 =	vadd.f32 v61, v1;
	_ =	sdelay $0x1  }
0xee: {  	v2 =	vadd.f32 v3, v2;
	v1 =	vadd.f32 v62, v1;
	_ =	sdelay $0x1  }
0xef: {  	v2 =	vadd.f32 v63, v2;
	v3 =	vmul.f32 $1.999999960e-02, v1  }
0xf0: {  	s30 =	simm.s32 $0x0  }
0xf1: {  	s29 =	simm.s32 $0x200;
	v1 =	vmul.f32 $1.999999960e-02, v2;
	[tilespmem:s30+$0xCE40] =	vst v3  }
.LBB2_5:
0xf2: {  	p0 =	sne.s32 s29, $0x3E00  }
0xf3: {  	[tilespmem:s30+$0xCE50] =	vst v1;
	s28 =	sadd.s32 $0x640, s28;
	s30 =	smov.u32 s29;
	s29 =	sadd.s32 $0x200, s29  }
0xf4: {  	v1 =	vld [tilespmem:s28+$0xFFFFFCE0]  }
0xf5: {  	v2 =	vld [tilespmem:s28+$0xFFFFFCF0]  }
0xf6: {  	v3 =	vld [tilespmem:s28+$0xFFFFFD00]  }
0xf7: {  	v4 =	vld [tilespmem:s28+$0xFFFFFD10]  }
0xf8: {  	v5 =	vld [tilespmem:s28+$0xFFFFFD20]  }
0xf9: {  	v1 =	vadd.f32 $0.0e+00, v1;
	v6 =	vld [tilespmem:s28+$0xFFFFFD30]  }
0xfa: {  	v2 =	vadd.f32 $0.0e+00, v2;
	v7 =	vld [tilespmem:s28+$0xFFFFFD40]  }
0xfb: {  	v1 =	vadd.f32 v3, v1;
	v3 =	vld [tilespmem:s28+$0xFFFFFD50]  }
0xfc: {  	v2 =	vadd.f32 v4, v2;
	v4 =	vld [tilespmem:s28+$0xFFFFFD60]  }
0xfd: {  	v1 =	vadd.f32 v5, v1;
	v5 =	vld [tilespmem:s28+$0xFFFFFD70]  }
0xfe: {  	v2 =	vadd.f32 v6, v2;
	v6 =	vld [tilespmem:s28+$0xFFFFFD80]  }
0xff: {  	v1 =	vadd.f32 v7, v1;
	v7 =	vld [tilespmem:s28+$0xFFFFFD90]  }
0x100: {  	v2 =	vadd.f32 v3, v2;
	v3 =	vld [tilespmem:s28+$0xFFFFFDA0]  }
0x101: {  	v1 =	vadd.f32 v4, v1;
	v4 =	vld [tilespmem:s28+$0xFFFFFDB0]  }
0x102: {  	v2 =	vadd.f32 v5, v2;
	v5 =	vld [tilespmem:s28+$0xFFFFFDC0]  }
0x103: {  	v1 =	vadd.f32 v6, v1;
	v6 =	vld [tilespmem:s28+$0xFFFFFDD0]  }
0x104: {  	v2 =	vadd.f32 v7, v2;
	v7 =	vld [tilespmem:s28+$0xFFFFFDE0]  }
0x105: {  	v1 =	vadd.f32 v3, v1;
	v3 =	vld [tilespmem:s28+$0xFFFFFDF0]  }
0x106: {  	v2 =	vadd.f32 v4, v2;
	v4 =	vld [tilespmem:s28+$0xFFFFFE00]  }
0x107: {  	v1 =	vadd.f32 v5, v1;
	v5 =	vld [tilespmem:s28+$0xFFFFFE10]  }
0x108: {  	v2 =	vadd.f32 v6, v2;
	v6 =	vld [tilespmem:s28+$0xFFFFFE20]  }
0x109: {  	v1 =	vadd.f32 v7, v1;
	v7 =	vld [tilespmem:s28+$0xFFFFFE30]  }
0x10a: {  	v2 =	vadd.f32 v3, v2;
	v3 =	vld [tilespmem:s28+$0xFFFFFE40]  }
0x10b: {  	v1 =	vadd.f32 v4, v1;
	v4 =	vld [tilespmem:s28+$0xFFFFFE50]  }
0x10c: {  	v2 =	vadd.f32 v5, v2;
	v5 =	vld [tilespmem:s28+$0xFFFFFE60]  }
0x10d: {  	v1 =	vadd.f32 v6, v1;
	v6 =	vld [tilespmem:s28+$0xFFFFFE70]  }
0x10e: {  	v2 =	vadd.f32 v7, v2;
	v7 =	vld [tilespmem:s28+$0xFFFFFE80]  }
0x10f: {  	v1 =	vadd.f32 v3, v1;
	v3 =	vld [tilespmem:s28+$0xFFFFFE90]  }
0x110: {  	v2 =	vadd.f32 v4, v2;
	v4 =	vld [tilespmem:s28+$0xFFFFFEA0]  }
0x111: {  	v1 =	vadd.f32 v5, v1;
	v5 =	vld [tilespmem:s28+$0xFFFFFEB0]  }
0x112: {  	v2 =	vadd.f32 v6, v2;
	v6 =	vld [tilespmem:s28+$0xFFFFFEC0]  }
0x113: {  	v1 =	vadd.f32 v7, v1;
	v7 =	vld [tilespmem:s28+$0xFFFFFED0]  }
0x114: {  	v2 =	vadd.f32 v3, v2;
	v3 =	vld [tilespmem:s28+$0xFFFFFEE0]  }
0x115: {  	v1 =	vadd.f32 v4, v1;
	v4 =	vld [tilespmem:s28+$0xFFFFFEF0]  }
0x116: {  	v2 =	vadd.f32 v5, v2;
	v5 =	vld [tilespmem:s28+$0xFFFFFF00]  }
0x117: {  	v1 =	vadd.f32 v6, v1;
	v6 =	vld [tilespmem:s28+$0xFFFFFF10]  }
0x118: {  	v2 =	vadd.f32 v7, v2;
	v7 =	vld [tilespmem:s28+$0xFFFFFF20]  }
0x119: {  	v1 =	vadd.f32 v3, v1;
	v3 =	vld [tilespmem:s28+$0xFFFFFF30]  }
0x11a: {  	v2 =	vadd.f32 v4, v2;
	v4 =	vld [tilespmem:s28+$0xFFFFFF40]  }
0x11b: {  	v1 =	vadd.f32 v5, v1;
	v5 =	vld [tilespmem:s28+$0xFFFFFF50]  }
0x11c: {  	v2 =	vadd.f32 v6, v2;
	v6 =	vld [tilespmem:s28+$0xFFFFFF60]  }
0x11d: {  	v1 =	vadd.f32 v7, v1;
	v7 =	vld [tilespmem:s28+$0xFFFFFF70]  }
0x11e: {  	v2 =	vadd.f32 v3, v2;
	v3 =	vld [tilespmem:s28+$0xFFFFFF80]  }
0x11f: {  	v1 =	vadd.f32 v4, v1;
	v4 =	vld [tilespmem:s28+$0xFFFFFF90]  }
0x120: {  	v2 =	vadd.f32 v5, v2;
	v5 =	vld [tilespmem:s28+$0xFFFFFFA0]  }
0x121: {  	v1 =	vadd.f32 v6, v1;
	v6 =	vld [tilespmem:s28+$0xFFFFFFB0]  }
0x122: {  	v2 =	vadd.f32 v7, v2;
	v7 =	vld [tilespmem:s28+$0xFFFFFFC0]  }
0x123: {  	v1 =	vadd.f32 v3, v1;
	v3 =	vld [tilespmem:s28+$0xFFFFFFD0]  }
0x124: {  	v2 =	vadd.f32 v4, v2;
	v4 =	vld [tilespmem:s28+$0xFFFFFFE0]  }
0x125: {  	v1 =	vadd.f32 v5, v1;
	v5 =	vld [tilespmem:s28+$0xFFFFFFF0]  }
0x126: {  	v2 =	vadd.f32 v6, v2;
	v6 =	vld [tilespmem:s28+$0x0]  }
0x127: {  	v1 =	vadd.f32 v7, v1;
	v7 =	vld [tilespmem:s28+$0x10]  }
0x128: {  	v2 =	vadd.f32 v3, v2;
	v3 =	vld [tilespmem:s28+$0x20]  }
0x129: {  	v1 =	vadd.f32 v4, v1;
	v4 =	vld [tilespmem:s28+$0x30]  }
0x12a: {  	v2 =	vadd.f32 v5, v2;
	v5 =	vld [tilespmem:s28+$0x40]  }
0x12b: {  	v1 =	vadd.f32 v6, v1;
	v6 =	vld [tilespmem:s28+$0x50]  }
0x12c: {  	v2 =	vadd.f32 v7, v2;
	v7 =	vld [tilespmem:s28+$0x60]  }
0x12d: {  	v1 =	vadd.f32 v3, v1;
	v3 =	vld [tilespmem:s28+$0x70]  }
0x12e: {  	v2 =	vadd.f32 v4, v2;
	v4 =	vld [tilespmem:s28+$0x80]  }
0x12f: {  	v1 =	vadd.f32 v5, v1;
	v5 =	vld [tilespmem:s28+$0x90]  }
0x130: {  	v2 =	vadd.f32 v6, v2;
	v6 =	vld [tilespmem:s28+$0xA0]  }
0x131: {  	v1 =	vadd.f32 v7, v1;
	v7 =	vld [tilespmem:s28+$0xB0]  }
0x132: {  	v2 =	vadd.f32 v3, v2;
	v3 =	vld [tilespmem:s28+$0xC0]  }
0x133: {  	v1 =	vadd.f32 v4, v1;
	v4 =	vld [tilespmem:s28+$0xD0]  }
0x134: {  	v2 =	vadd.f32 v5, v2;
	v5 =	vld [tilespmem:s28+$0xE0]  }
0x135: {  	v1 =	vadd.f32 v6, v1;
	v6 =	vld [tilespmem:s28+$0xF0]  }
0x136: {  	v2 =	vadd.f32 v7, v2;
	v7 =	vld [tilespmem:s28+$0x100]  }
0x137: {  	v1 =	vadd.f32 v3, v1;
	v3 =	vld [tilespmem:s28+$0x110]  }
0x138: {  	v2 =	vadd.f32 v4, v2;
	v4 =	vld [tilespmem:s28+$0x120]  }
0x139: {  	v1 =	vadd.f32 v5, v1;
	v5 =	vld [tilespmem:s28+$0x130]  }
0x13a: {  	v2 =	vadd.f32 v6, v2;
	v6 =	vld [tilespmem:s28+$0x140]  }
0x13b: {  	v1 =	vadd.f32 v7, v1;
	v7 =	vld [tilespmem:s28+$0x150]  }
0x13c: {  	v2 =	vadd.f32 v3, v2;
	v3 =	vld [tilespmem:s28+$0x160]  }
0x13d: {  	v1 =	vadd.f32 v4, v1;
	v4 =	vld [tilespmem:s28+$0x170]  }
0x13e: {  	v2 =	vadd.f32 v5, v2;
	v5 =	vld [tilespmem:s28+$0x180]  }
0x13f: {  	v1 =	vadd.f32 v6, v1;
	v6 =	vld [tilespmem:s28+$0x190]  }
0x140: {  	v2 =	vadd.f32 v7, v2;
	v7 =	vld [tilespmem:s28+$0x1A0]  }
0x141: {  	v1 =	vadd.f32 v3, v1;
	v3 =	vld [tilespmem:s28+$0x1B0]  }
0x142: {  	v2 =	vadd.f32 v4, v2;
	v4 =	vld [tilespmem:s28+$0x1C0]  }
0x143: {  	v1 =	vadd.f32 v5, v1;
	v5 =	vld [tilespmem:s28+$0x1D0]  }
0x144: {  	v2 =	vadd.f32 v6, v2;
	v6 =	vld [tilespmem:s28+$0x1E0]  }
0x145: {  	v1 =	vadd.f32 v7, v1;
	v7 =	vld [tilespmem:s28+$0x1F0]  }
0x146: {  	v2 =	vadd.f32 v3, v2;
	v3 =	vld [tilespmem:s28+$0x200]  }
0x147: {  	v1 =	vadd.f32 v4, v1;
	v4 =	vld [tilespmem:s28+$0x210]  }
0x148: {  	v2 =	vadd.f32 v5, v2;
	v5 =	vld [tilespmem:s28+$0x220]  }
0x149: {  	v1 =	vadd.f32 v6, v1;
	v6 =	vld [tilespmem:s28+$0x230]  }
0x14a: {  	v2 =	vadd.f32 v7, v2;
	v7 =	vld [tilespmem:s28+$0x240]  }
0x14b: {  	v1 =	vadd.f32 v3, v1;
	v3 =	vld [tilespmem:s28+$0x250]  }
0x14c: {  	v2 =	vadd.f32 v4, v2;
	v4 =	vld [tilespmem:s28+$0x260]  }
0x14d: {  	v1 =	vadd.f32 v5, v1;
	v5 =	vld [tilespmem:s28+$0x270]  }
0x14e: {  	v2 =	vadd.f32 v6, v2;
	v6 =	vld [tilespmem:s28+$0x280]  }
0x14f: {  	v1 =	vadd.f32 v7, v1;
	v7 =	vld [tilespmem:s28+$0x290]  }
0x150: {  	v2 =	vadd.f32 v3, v2;
	v3 =	vld [tilespmem:s28+$0x2A0]  }
0x151: {  	v1 =	vadd.f32 v4, v1;
	v4 =	vld [tilespmem:s28+$0x2B0]  }
0x152: {  	v2 =	vadd.f32 v5, v2;
	v5 =	vld [tilespmem:s28+$0x2C0]  }
0x153: {  	v1 =	vadd.f32 v6, v1;
	v6 =	vld [tilespmem:s28+$0x2D0]  }
0x154: {  	v2 =	vadd.f32 v7, v2;
	v7 =	vld [tilespmem:s28+$0x2E0]  }
0x155: {  	v1 =	vadd.f32 v3, v1;
	v3 =	vld [tilespmem:s28+$0x2F0]  }
0x156: {  	v2 =	vadd.f32 v4, v2;
	v4 =	vld [tilespmem:s28+$0x300]  }
0x157: {  	v1 =	vadd.f32 v5, v1;
	v5 =	vld [tilespmem:s28+$0x310]  }
0x158: {  	v2 =	vadd.f32 v6, v2  }
0x159: {  	v1 =	vadd.f32 v7, v1  }
0x15a: {  	v2 =	vadd.f32 v3, v2  }
.Ltmp1:
0x15b: {  	v1 =	vadd.f32 v4, v1;
	(pc) =	sbr.rel @p0 .LBB2_5-.Ltmp1, $4  }
0x15c: {  	v2 =	vadd.f32 v5, v2  }
0x15d: {  	v3 =	vmul.f32 $1.999999960e-02, v1  }
0x15e: {  	s30 =	sshra.s32 s30, $0x2;
	v1 =	vmul.f32 $1.999999960e-02, v2  }
0x15f: {  	[tilespmem:s30+$0xCE40] =	vst v3  }
0x160: {  	s25 =	sadd.s32 $0x1, s25  }
0x161: {  	s26 =	sshll.u32 s26, $0x4;
	p0 =	sne.s32 s25, $0x10  }
.Ltmp2:
0x162: {  	[tilespmem:s30+$0xCE50] =	vst v1;
	s28 =	simm.s32 $0x0;
	s26 =	sadd.s32 s5, s26;
	(pc) =	sbr.rel @p0 .LBB2_4-.Ltmp2, $4  }
0x163: {  	[hbm4b:s26+s28] =	stream.linear.scatter [tilespmem:s23], [sflag:$0x2], $0x1000, $0x38;
	[tilespmem:$0xDE40] =	vst v63  }
0x164: {  	_ =	swait.ge [sflag:s8], $0x1000  }
0x165: {  	[sflag:s8] =	ssyncset.done $0x0  }
0x166: {  	[sflag:s8] =	ssyncadd.s32 $0xFFFFF000  }
0x167: {  	s25 =	rddreg [dreg:$0x4]  }
0x168: {  	s24 =	rddreg [dreg:$0x3];
	s25 =	sadd.s32 $0x1, s25  }
0x169: {  	p0 =	sne.s32 s25, s24  }
.Ltmp3:
0x16a: {  	_ = 	snop;
	(pc) =	sbr.rel @p0 .LBB2_1-.Ltmp3, $1  }
0x16b: {  	_ =	sdelay $0x3  }
0x16c: {  	_ =	sfence.sel $0x180000  }
0x16d: {  	[bflag:$0x0] =	sbarrier.arrive $0xFFFF  }
0x16e: {  	_ =	strace $0x90000047  }
0x16f: {  	s0 =	stileid.u32;
	[bflag:$0x2] =	sbarrier.arrive $0xFFFF  }
0x170: {  	p0 =	sne.s32 s0, $0x0;
	s0 =	rddreg [dreg:$0x2]  }
0x171: {  	s0 =	sadd.s32 @!p0 $0x100000, s0  }
0x172: {  	[sflag:s0] =	ssyncadd.tile.s32 @!p0 $0x1;
	_ =	shalt  }
.Lfunc_end2:
_tile_overlayer_lowered:
.L_overlay_start_2:
0x173: {  	(tag) =	ssettag $0x2  }
0x174: {  	s0 =	rddreg [dreg:$0x0];
	s2 =	stileid.u32  }
0x175: {  	s1 =	rddreg [dreg:$0x1];
	p0 =	sne.s32 s2, $0x0  }
0x176: {  	s3 =	rddreg [dreg:$0x2];
	[bflag:$0x3] =	sbarrier.arrive $0xFFFF;
	s2 =	simm.s32 @!p0 $0x1C02  }
0x177: {  	[timem:s3], [sflag:s2] =	dma.local @!p0 [hbm:s0], s1  }
0x178: {  	s0 =	simm.s32 @!p0 $0x2  }
0x179: {  	_ =	swait.ge @!p0 [sflag:s0], s1  }
0x17a: {  	s1 =	ssub.s32 @!p0 $0x0, s1;
	[sflag:s0] =	ssyncset.done @!p0 $0x0  }
0x17b: {  	[sflag:s0] =	ssyncadd.s32 @!p0 s1  }
0x17c: {  	[bflag:$0x3] =	sbarrier.arrive $0xFFFF  }
0x17d: {  	_ =	shalt  }

</sc_bundles>
